<compile_context>
chip_gen: v7x
topology: tpu7x:2x2x1
jax: 0.10.2.dev20260603
libtpu: 0.0.44.dev20260713+nightly
codegen_flags: <defaults>
</compile_context>

<pallas_src>
import functools

import jax
import jax.numpy as jnp
from jax import lax
from jax.experimental import pallas as pl
from jax.experimental.pallas import tpu as pltpu
from jax.experimental.pallas import tpu_sc as plsc

B = 16
P = 4096
E = 16
H = 128
D = 128
L = 16
NCH = P // L
BIG = 1e19


def _feature_body(pts0_hbm, pts1_hbm, cp_hbm, out_hbm,
                  pv_v, cp_v, out_v):
    h = lax.axis_index("c")
    b = lax.axis_index("s")
    pltpu.sync_copy(cp_hbm.at[h], cp_v)

    @pl.when(h == 0)
    def _():
        pltpu.sync_copy(pts0_hbm.at[b], pv_v)

    @pl.when(h == 1)
    def _():
        pltpu.sync_copy(pts1_hbm.at[b], pv_v)

    lanes = lax.iota(jnp.int32, L)
    zero = jnp.float32(0.0)
    cnt_row = cp_v[pl.ds(0, L)]
    cnt = lax.convert_element_type(
        jnp.sum(jnp.where(lanes == b, cnt_row, zero)), jnp.int32)
    nchunks = (cnt + (L - 1)) // L

    cx_row = cp_v[pl.ds(L, L)]
    cy_row = cp_v[pl.ds(2 * L, L)]
    nsx_row = cp_v[pl.ds(3 * L, L)]
    nsy_row = cp_v[pl.ds(4 * L, L)]
    cxe, cye, nsxe, nsye = [], [], [], []
    for e in range(E):
        sel = lanes == e
        cxe.append(jnp.sum(jnp.where(sel, cx_row, zero)))
        cye.append(jnp.sum(jnp.where(sel, cy_row, zero)))
        nsxe.append(jnp.sum(jnp.where(sel, nsx_row, zero)))
        nsye.append(jnp.sum(jnp.where(sel, nsy_row, zero)))

    @pl.when(nchunks > 0)
    def _():
        i = nchunks - 1
        valid = (lanes + i * L) < cnt
        pv_v[pl.ds(i * L, L)] = jnp.where(
            valid, pv_v[pl.ds(i * L, L)], jnp.full((L,), BIG, jnp.float32))
        pv_v[pl.ds(P + i * L, L)] = jnp.where(
            valid, pv_v[pl.ds(P + i * L, L)], jnp.zeros((L,), jnp.float32))

    G = 8
    out = jnp.zeros((L,), jnp.float32)
    for g in range(0, E, G):
        def group_chunk(i, accs):
            xv = pv_v[pl.ds(i * L, L)]
            yv = pv_v[pl.ds(P + i * L, L)]
            new = []
            for j in range(G):
                e = g + j
                dx = xv - cxe[e]
                dy = yv - cye[e]
                t = nsxe[e] * (dx * dx) + nsye[e] * (dy * dy)
                new.append(accs[j] + jnp.exp(t))
            return tuple(new)

        accs = lax.fori_loop(0, nchunks, group_chunk,
                             tuple(jnp.zeros((L,), jnp.float32) for _ in range(G)))
        for j in range(G):
            out = out + jnp.where(lanes == (g + j), jnp.sum(accs[j]), zero)

    out_v[...] = out
    pltpu.sync_copy(out_v, out_hbm.at[b // 8, b % 8, pl.ds(h * E, E)])


def _mlp_body(f_ref, w1_ref, w2_ref, g1_ref, b1_ref, g2_ref, b2_ref, o_ref):
    x = f_ref[:, :2 * E]
    dn = (((1,), (1,)), ((), ()))
    hdn = lax.dot_general(x, w1_ref[...], dn, preferred_element_type=jnp.float32)
    mean = jnp.mean(hdn, axis=0, keepdims=True)
    var = jnp.mean((hdn - mean) * (hdn - mean), axis=0, keepdims=True)
    hdn = (hdn - mean) / jnp.sqrt(var + 1e-5) * g1_ref[...][None, :] + b1_ref[...][None, :]
    hdn = jnp.maximum(hdn, 0.0)
    y = lax.dot_general(hdn, w2_ref[...], dn, preferred_element_type=jnp.float32)
    mean2 = jnp.mean(y, axis=0, keepdims=True)
    var2 = jnp.mean((y - mean2) * (y - mean2), axis=0, keepdims=True)
    y = (y - mean2) / jnp.sqrt(var2 + 1e-5) * g2_ref[...][None, :] + b2_ref[...][None, :]
    nrm = jnp.maximum(jnp.sqrt(jnp.sum(y * y, axis=1, keepdims=True)), 1e-12)
    o_ref[...] = y / nrm


@functools.partial(
    pl.kernel,
    out_type=jax.ShapeDtypeStruct((2, 8, 128), jnp.float32),
    mesh=plsc.VectorSubcoreMesh(core_axis_name="c", subcore_axis_name="s"),
    compiler_params=pltpu.CompilerParams(needs_layout_passes=False),
    scratch_types=[
        pltpu.VMEM((2 * P,), jnp.float32),
        pltpu.VMEM((5 * L,), jnp.float32),
        pltpu.VMEM((L,), jnp.float32),
    ],
)
def _features(*refs):
    _feature_body(*refs)


_mlp = pl.pallas_call(
    _mlp_body,
    out_shape=jax.ShapeDtypeStruct((B, D), jnp.float32),
)


def kernel(barcode_h0, barcode_h0_count, barcode_h1, barcode_h1_count,
           centers_h0, log_sharpness_h0, centers_h1, log_sharpness_h1,
           W1, W2, bn1_gamma, bn1_beta, bn2_gamma, bn2_beta):
    pts0 = jnp.transpose(barcode_h0, (0, 2, 1)).reshape(B, 2 * P)
    pts1 = jnp.transpose(barcode_h1, (0, 2, 1)).reshape(B, 2 * P)
    nsharp0 = -(jax.nn.softplus(log_sharpness_h0) + 1e-6)
    nsharp1 = -(jax.nn.softplus(log_sharpness_h1) + 1e-6)
    cp = jnp.stack([
        jnp.concatenate([barcode_h0_count.astype(jnp.float32),
                         centers_h0[:, 0], centers_h0[:, 1],
                         nsharp0[:, 0], nsharp0[:, 1]]),
        jnp.concatenate([barcode_h1_count.astype(jnp.float32),
                         centers_h1[:, 0], centers_h1[:, 1],
                         nsharp1[:, 0], nsharp1[:, 1]]),
    ])
    f = _features(pts0, pts1, cp).reshape(B, D)
    return _mlp(f, W1, W2, bn1_gamma, bn1_beta, bn2_gamma, bn2_beta)

# --- scband reference (transcript-rebuilt; emitter-appended) ---
"""Pipeline reference for scband-barcode-slayer-encoder-20486994002574 (READ-ONLY COPY).

The authoritative reference and input builder live on the scoring server;
editing this copy changes nothing except your own understanding.
"""

import jax, jax.numpy as jnp
import numpy as np


def _slayer(pts, count, centers, log_sharp):
    # FallbackSLayerExponential over padded points with a validity mask.
    sharp = jax.nn.softplus(log_sharp) + 1e-06  # [E, 2]
    diff = pts[:, :, None, :] - centers[None, None, :, :]  # [B, P, E, 2]
    resp = jnp.exp(-jnp.sum(sharp[None, None, :, :] * diff ** 2, axis=-1))  # [B, P, E]
    mask = (jnp.arange(pts.shape[1])[None, :] < count[:, None]).astype(pts.dtype)  # [B, P]
    return jnp.sum(resp * mask[:, :, None], axis=1)  # [B, E]; empty samples -> zeros


def _bn_train(x, gamma, beta, eps=1e-05):
    # BatchNorm1d in training mode: batch statistics (biased variance).
    mean = jnp.mean(x, axis=0, keepdims=True)
    var = jnp.var(x, axis=0, keepdims=True)
    return (x - mean) / jnp.sqrt(var + eps) * gamma + beta


def setup_inputs(seed: int = 0) -> dict:
    key = jax.random.key(seed)
    ks = jax.random.split(key, 10)
    B, P, E, H, D = 16, 4096, 16, 128, 128
    return {
        'barcode_h0': jax.random.uniform(ks[0], (B, P, 2), dtype=jnp.float32),
        'barcode_h0_count': jax.random.randint(ks[1], (B,), 0, P),
        'barcode_h1': jax.random.uniform(ks[2], (B, P, 2), dtype=jnp.float32),
        'barcode_h1_count': jax.random.randint(ks[3], (B,), 0, P),
        'centers_h0': jax.random.uniform(ks[4], (E, 2), dtype=jnp.float32),
        'log_sharpness_h0': jnp.log(jnp.full((E, 2), 3.0, dtype=jnp.float32)),
        'centers_h1': jax.random.uniform(ks[5], (E, 2), dtype=jnp.float32),
        'log_sharpness_h1': jnp.log(jnp.full((E, 2), 3.0, dtype=jnp.float32)),
        'W1': jax.random.normal(ks[6], (H, 2 * E), dtype=jnp.float32) / np.sqrt(2 * E),
        'W2': jax.random.normal(ks[7], (D, H), dtype=jnp.float32) / np.sqrt(H),
        'bn1_gamma': jnp.ones((H,), jnp.float32),
        'bn1_beta': jnp.zeros((H,), jnp.float32),
        'bn2_gamma': jnp.ones((D,), jnp.float32),
        'bn2_beta': jnp.zeros((D,), jnp.float32),
    }


def reference(barcode_h0, barcode_h0_count, barcode_h1, barcode_h1_count, centers_h0, log_sharpness_h0, centers_h1, log_sharpness_h1, W1, W2, bn1_gamma, bn1_beta, bn2_gamma, bn2_beta):
    f0 = _slayer(barcode_h0, barcode_h0_count, centers_h0, log_sharpness_h0)
    f1 = _slayer(barcode_h1, barcode_h1_count, centers_h1, log_sharpness_h1)
    x = jnp.concatenate([f0, f1], axis=1)  # [B, 32]
    x = x @ W1.T
    x = _bn_train(x, bn1_gamma, bn1_beta)
    x = jax.nn.relu(x)
    x = x @ W2.T
    x = _bn_train(x, bn2_gamma, bn2_beta)
    norm = jnp.maximum(jnp.linalg.norm(x, axis=1, keepdims=True), 1e-12)
    return x / norm

if __name__ == "__main__":
    import jax
    _d = setup_inputs()
    print(jax.jit(kernel)(*tuple(_d.values())))

</pallas_src>

<mosaic_0001>
#map = affine_map<(d0, d1) -> (0, 0)>
#map1 = affine_map<(d0, d1) -> (0, 0, 0)>
module attributes {stable_mosaic.version = 14 : i64} {
  func.func @_features(%arg0: i32, %arg1: i32, %arg2: memref<16x8192xf32, #tpu.memory_space<hbm>>, %arg3: memref<16x8192xf32, #tpu.memory_space<hbm>>, %arg4: memref<2x80xf32, #tpu.memory_space<hbm>>, %arg5: memref<2x8x128xf32, #tpu.memory_space<hbm>>, %arg6: memref<8192xf32, #tpu.memory_space<vmem>>, %arg7: memref<80xf32, #tpu.memory_space<vmem>>, %arg8: memref<16xf32, #tpu.memory_space<vmem>>) attributes {dimension_semantics = [#tpu.dimension_semantics<core_parallel>, #tpu.dimension_semantics<subcore_parallel>], iteration_bounds = array<i64: 2, 16>, scalar_prefetch = 0 : i64, scratch_operands = 3 : i64, tpu.core_type = #tpu.core_type<sc_vector_subcore>, window_params = [{transform_indices = #map}, {transform_indices = #map}, {transform_indices = #map}, {transform_indices = #map1}]} {
    "tpu.region"() ({
      %run_scoped3A = tpu.sem_alloc : memref<!tpu.dma_semaphore, #tpu.memory_space<semaphore_mem>>
      %dma_start3A = arith.constant 0 : i32
      %dma_start3A_829 = tpu.memref_slice %arg4[%arg0, %dma_start3A] : memref<2x80xf32, #tpu.memory_space<hbm>> -> memref<1x80xf32, #tpu.memory_space<hbm>>
      %dma_start3A_830 = tpu.memref_squeeze %dma_start3A_829 : memref<1x80xf32, #tpu.memory_space<hbm>> -> memref<80xf32, #tpu.memory_space<hbm>>
      %dma_start3A_831 = arith.constant 0 : i32
      %dma_start3A_832 = tpu.memref_slice %arg4[%arg0, %dma_start3A_831] : memref<2x80xf32, #tpu.memory_space<hbm>> -> memref<1x80xf32, #tpu.memory_space<hbm>>
      %dma_start3A_833 = tpu.memref_squeeze %dma_start3A_832 : memref<1x80xf32, #tpu.memory_space<hbm>> -> memref<80xf32, #tpu.memory_space<hbm>>
      tpu.enqueue_dma source(%dma_start3A_833 : memref<80xf32, #tpu.memory_space<hbm>>) target(%arg7 : memref<80xf32, #tpu.memory_space<vmem>>) target_semaphore(%run_scoped3A : memref<!tpu.dma_semaphore, #tpu.memory_space<semaphore_mem>>)
      %dma_wait3A = arith.constant 0 : i32
      %dma_wait3A_834 = tpu.memref_slice %arg4[%arg0, %dma_wait3A] : memref<2x80xf32, #tpu.memory_space<hbm>> -> memref<1x80xf32, #tpu.memory_space<hbm>>
      %dma_wait3A_835 = tpu.memref_squeeze %dma_wait3A_834 : memref<1x80xf32, #tpu.memory_space<hbm>> -> memref<80xf32, #tpu.memory_space<hbm>>
      %dma_wait3A_836 = arith.constant 0 : i32
      %dma_wait3A_837 = tpu.memref_slice %arg4[%arg0, %dma_wait3A_836] : memref<2x80xf32, #tpu.memory_space<hbm>> -> memref<1x80xf32, #tpu.memory_space<hbm>>
      %dma_wait3A_838 = tpu.memref_squeeze %dma_wait3A_837 : memref<1x80xf32, #tpu.memory_space<hbm>> -> memref<80xf32, #tpu.memory_space<hbm>>
      tpu.wait_dma2 semaphore(%run_scoped3A : memref<!tpu.dma_semaphore, #tpu.memory_space<semaphore_mem>>) src(%dma_wait3A_838 : memref<80xf32, #tpu.memory_space<hbm>>) dst(%arg7 : memref<80xf32, #tpu.memory_space<vmem>>)
      tpu.yield
    }) : () -> ()
    %eq3A = arith.constant 0 : i32
    %eq3A_0 = arith.cmpi eq, %arg0, %eq3A : i32
    %convert_element_type3A = arith.extui %eq3A_0 : i1 to i32
    %cond3A = arith.constant 0 : i32
    %cond3A_1 = arith.cmpi ne, %convert_element_type3A, %cond3A : i32
    scf.if %cond3A_1 {
      "tpu.region"() ({
        %run_scoped3A = tpu.sem_alloc : memref<!tpu.dma_semaphore, #tpu.memory_space<semaphore_mem>>
        %dma_start3A = arith.constant 0 : i32
        %dma_start3A_829 = tpu.memref_slice %arg2[%arg1, %dma_start3A] : memref<16x8192xf32, #tpu.memory_space<hbm>> -> memref<1x8192xf32, #tpu.memory_space<hbm>>
        %dma_start3A_830 = tpu.memref_squeeze %dma_start3A_829 : memref<1x8192xf32, #tpu.memory_space<hbm>> -> memref<8192xf32, #tpu.memory_space<hbm>>
        %dma_start3A_831 = arith.constant 0 : i32
        %dma_start3A_832 = tpu.memref_slice %arg2[%arg1, %dma_start3A_831] : memref<16x8192xf32, #tpu.memory_space<hbm>> -> memref<1x8192xf32, #tpu.memory_space<hbm>>
        %dma_start3A_833 = tpu.memref_squeeze %dma_start3A_832 : memref<1x8192xf32, #tpu.memory_space<hbm>> -> memref<8192xf32, #tpu.memory_space<hbm>>
        tpu.enqueue_dma source(%dma_start3A_833 : memref<8192xf32, #tpu.memory_space<hbm>>) target(%arg6 : memref<8192xf32, #tpu.memory_space<vmem>>) target_semaphore(%run_scoped3A : memref<!tpu.dma_semaphore, #tpu.memory_space<semaphore_mem>>)
        %dma_wait3A = arith.constant 0 : i32
        %dma_wait3A_834 = tpu.memref_slice %arg2[%arg1, %dma_wait3A] : memref<16x8192xf32, #tpu.memory_space<hbm>> -> memref<1x8192xf32, #tpu.memory_space<hbm>>
        %dma_wait3A_835 = tpu.memref_squeeze %dma_wait3A_834 : memref<1x8192xf32, #tpu.memory_space<hbm>> -> memref<8192xf32, #tpu.memory_space<hbm>>
        %dma_wait3A_836 = arith.constant 0 : i32
        %dma_wait3A_837 = tpu.memref_slice %arg2[%arg1, %dma_wait3A_836] : memref<16x8192xf32, #tpu.memory_space<hbm>> -> memref<1x8192xf32, #tpu.memory_space<hbm>>
        %dma_wait3A_838 = tpu.memref_squeeze %dma_wait3A_837 : memref<1x8192xf32, #tpu.memory_space<hbm>> -> memref<8192xf32, #tpu.memory_space<hbm>>
        tpu.wait_dma2 semaphore(%run_scoped3A : memref<!tpu.dma_semaphore, #tpu.memory_space<semaphore_mem>>) src(%dma_wait3A_838 : memref<8192xf32, #tpu.memory_space<hbm>>) dst(%arg6 : memref<8192xf32, #tpu.memory_space<vmem>>)
        tpu.yield
      }) : () -> ()
    } else {
    }
    %eq3A_2 = arith.constant 1 : i32
    %eq3A_3 = arith.cmpi eq, %arg0, %eq3A_2 : i32
    %convert_element_type3A_4 = arith.extui %eq3A_3 : i1 to i32
    %cond3A_5 = arith.constant 0 : i32
    %cond3A_6 = arith.cmpi ne, %convert_element_type3A_4, %cond3A_5 : i32
    scf.if %cond3A_6 {
      "tpu.region"() ({
        %run_scoped3A = tpu.sem_alloc : memref<!tpu.dma_semaphore, #tpu.memory_space<semaphore_mem>>
        %dma_start3A = arith.constant 0 : i32
        %dma_start3A_829 = tpu.memref_slice %arg3[%arg1, %dma_start3A] : memref<16x8192xf32, #tpu.memory_space<hbm>> -> memref<1x8192xf32, #tpu.memory_space<hbm>>
        %dma_start3A_830 = tpu.memref_squeeze %dma_start3A_829 : memref<1x8192xf32, #tpu.memory_space<hbm>> -> memref<8192xf32, #tpu.memory_space<hbm>>
        %dma_start3A_831 = arith.constant 0 : i32
        %dma_start3A_832 = tpu.memref_slice %arg3[%arg1, %dma_start3A_831] : memref<16x8192xf32, #tpu.memory_space<hbm>> -> memref<1x8192xf32, #tpu.memory_space<hbm>>
        %dma_start3A_833 = tpu.memref_squeeze %dma_start3A_832 : memref<1x8192xf32, #tpu.memory_space<hbm>> -> memref<8192xf32, #tpu.memory_space<hbm>>
        tpu.enqueue_dma source(%dma_start3A_833 : memref<8192xf32, #tpu.memory_space<hbm>>) target(%arg6 : memref<8192xf32, #tpu.memory_space<vmem>>) target_semaphore(%run_scoped3A : memref<!tpu.dma_semaphore, #tpu.memory_space<semaphore_mem>>)
        %dma_wait3A = arith.constant 0 : i32
        %dma_wait3A_834 = tpu.memref_slice %arg3[%arg1, %dma_wait3A] : memref<16x8192xf32, #tpu.memory_space<hbm>> -> memref<1x8192xf32, #tpu.memory_space<hbm>>
        %dma_wait3A_835 = tpu.memref_squeeze %dma_wait3A_834 : memref<1x8192xf32, #tpu.memory_space<hbm>> -> memref<8192xf32, #tpu.memory_space<hbm>>
        %dma_wait3A_836 = arith.constant 0 : i32
        %dma_wait3A_837 = tpu.memref_slice %arg3[%arg1, %dma_wait3A_836] : memref<16x8192xf32, #tpu.memory_space<hbm>> -> memref<1x8192xf32, #tpu.memory_space<hbm>>
        %dma_wait3A_838 = tpu.memref_squeeze %dma_wait3A_837 : memref<1x8192xf32, #tpu.memory_space<hbm>> -> memref<8192xf32, #tpu.memory_space<hbm>>
        tpu.wait_dma2 semaphore(%run_scoped3A : memref<!tpu.dma_semaphore, #tpu.memory_space<semaphore_mem>>) src(%dma_wait3A_838 : memref<8192xf32, #tpu.memory_space<hbm>>) dst(%arg6 : memref<8192xf32, #tpu.memory_space<vmem>>)
        tpu.yield
      }) : () -> ()
    } else {
    }
    %iota3A = tpu.iota {dimensions = array<i32: 0>} : vector<16xi32>
    %get3A = arith.constant 0 : index
    %get3A_7 = tpu.vector_load %arg7[%get3A] {strides = array<i32>} : memref<80xf32, #tpu.memory_space<vmem>>, vector<16xf32>,
    %eq3A_8 = vector.broadcast %arg1 : i32 to vector<16xi32>
    %eq3A_9 = arith.cmpi eq, %iota3A, %eq3A_8 : vector<16xi32>
    %jit3A = arith.constant 0.000000e+00 : f32
    %broadcast_in_dim3A = vector.broadcast %jit3A : f32 to vector<16xf32>
    %select_n3A = arith.select %eq3A_9, %get3A_7, %broadcast_in_dim3A : vector<16xi1>, vector<16xf32>
    %reduce_sum3A = arith.constant true
    %reduce_sum3A_10 = vector.broadcast %reduce_sum3A : i1 to vector<16xi1>
    %reduce_sum3A_11 = tpu.scan <sum>, %select_n3A masked %reduce_sum3A_10 : vector<16xf32>, vector<16xi1> -> vector<16xf32>
    %reduce_sum3A_12 = vector.extract %reduce_sum3A_11[15] : f32 from vector<16xf32>
    %convert_element_type3A_13 = arith.fptosi %reduce_sum3A_12 : f32 to i32
    %add3A = arith.constant 15 : i32
    %add3A_14 = arith.addi %convert_element_type3A_13, %add3A : i32
    %jit3A_15 = arith.constant 16 : i32
    %div3A = arith.divsi %add3A_14, %jit3A_15 : i32
    %sign3A = arith.constant 0 : i32
    %sign3A_16 = arith.cmpi sgt, %add3A_14, %sign3A : i32
    %sign3A_17 = arith.extui %sign3A_16 : i1 to i32
    %sign3A_18 = arith.constant 0 : i32
    %sign3A_19 = arith.cmpi slt, %add3A_14, %sign3A_18 : i32
    %sign3A_20 = arith.extui %sign3A_19 : i1 to i32
    %sign3A_21 = arith.subi %sign3A_17, %sign3A_20 : i32
    %sign3A_22 = arith.constant 0 : i32
    %sign3A_23 = arith.cmpi sgt, %jit3A_15, %sign3A_22 : i32
    %sign3A_24 = arith.extui %sign3A_23 : i1 to i32
    %sign3A_25 = arith.constant 0 : i32
    %sign3A_26 = arith.cmpi slt, %jit3A_15, %sign3A_25 : i32
    %sign3A_27 = arith.extui %sign3A_26 : i1 to i32
    %sign3A_28 = arith.subi %sign3A_24, %sign3A_27 : i32
    %ne3A = arith.cmpi ne, %sign3A_21, %sign3A_28 : i32
    %rem3A = arith.remsi %add3A_14, %jit3A_15 : i32
    %ne3A_29 = arith.constant 0 : i32
    %ne3A_30 = arith.cmpi ne, %rem3A, %ne3A_29 : i32
    %and3A = arith.andi %ne3A, %ne3A_30 : i1
    %sub3A = arith.constant 1 : i32
    %sub3A_31 = arith.subi %div3A, %sub3A : i32
    %select_n3A_32 = arith.select %and3A, %sub3A_31, %div3A : i32
    %get3A_33 = arith.constant 16 : index
    %get3A_34 = tpu.vector_load %arg7[%get3A_33] {strides = array<i32>} : memref<80xf32, #tpu.memory_space<vmem>>, vector<16xf32>,
    %get3A_35 = arith.constant 32 : index
    %get3A_36 = tpu.vector_load %arg7[%get3A_35] {strides = array<i32>} : memref<80xf32, #tpu.memory_space<vmem>>, vector<16xf32>,
    %get3A_37 = arith.constant 48 : index
    %get3A_38 = tpu.vector_load %arg7[%get3A_37] {strides = array<i32>} : memref<80xf32, #tpu.memory_space<vmem>>, vector<16xf32>,
    %get3A_39 = arith.constant 64 : index
    %get3A_40 = tpu.vector_load %arg7[%get3A_39] {strides = array<i32>} : memref<80xf32, #tpu.memory_space<vmem>>, vector<16xf32>,
    %eq3A_41 = arith.constant 0 : i32
    %eq3A_42 = vector.broadcast %eq3A_41 : i32 to vector<16xi32>
    %eq3A_43 = arith.cmpi eq, %iota3A, %eq3A_42 : vector<16xi32>
    %jit3A_44 = arith.constant 0.000000e+00 : f32
    %broadcast_in_dim3A_45 = vector.broadcast %jit3A_44 : f32 to vector<16xf32>
    %select_n3A_46 = arith.select %eq3A_43, %get3A_34, %broadcast_in_dim3A_45 : vector<16xi1>, vector<16xf32>
    %reduce_sum3A_47 = arith.constant true
    %reduce_sum3A_48 = vector.broadcast %reduce_sum3A_47 : i1 to vector<16xi1>
    %reduce_sum3A_49 = tpu.scan <sum>, %select_n3A_46 masked %reduce_sum3A_48 : vector<16xf32>, vector<16xi1> -> vector<16xf32>
    %reduce_sum3A_50 = vector.extract %reduce_sum3A_49[15] : f32 from vector<16xf32>
    %jit3A_51 = arith.constant 0.000000e+00 : f32
    %broadcast_in_dim3A_52 = vector.broadcast %jit3A_51 : f32 to vector<16xf32>
    %select_n3A_53 = arith.select %eq3A_43, %get3A_36, %broadcast_in_dim3A_52 : vector<16xi1>, vector<16xf32>
    %reduce_sum3A_54 = arith.constant true
    %reduce_sum3A_55 = vector.broadcast %reduce_sum3A_54 : i1 to vector<16xi1>
    %reduce_sum3A_56 = tpu.scan <sum>, %select_n3A_53 masked %reduce_sum3A_55 : vector<16xf32>, vector<16xi1> -> vector<16xf32>
    %reduce_sum3A_57 = vector.extract %reduce_sum3A_56[15] : f32 from vector<16xf32>
    %jit3A_58 = arith.constant 0.000000e+00 : f32
    %broadcast_in_dim3A_59 = vector.broadcast %jit3A_58 : f32 to vector<16xf32>
    %select_n3A_60 = arith.select %eq3A_43, %get3A_38, %broadcast_in_dim3A_59 : vector<16xi1>, vector<16xf32>
    %reduce_sum3A_61 = arith.constant true
    %reduce_sum3A_62 = vector.broadcast %reduce_sum3A_61 : i1 to vector<16xi1>
    %reduce_sum3A_63 = tpu.scan <sum>, %select_n3A_60 masked %reduce_sum3A_62 : vector<16xf32>, vector<16xi1> -> vector<16xf32>
    %reduce_sum3A_64 = vector.extract %reduce_sum3A_63[15] : f32 from vector<16xf32>
    %jit3A_65 = arith.constant 0.000000e+00 : f32
    %broadcast_in_dim3A_66 = vector.broadcast %jit3A_65 : f32 to vector<16xf32>
    %select_n3A_67 = arith.select %eq3A_43, %get3A_40, %broadcast_in_dim3A_66 : vector<16xi1>, vector<16xf32>
    %reduce_sum3A_68 = arith.constant true
    %reduce_sum3A_69 = vector.broadcast %reduce_sum3A_68 : i1 to vector<16xi1>
    %reduce_sum3A_70 = tpu.scan <sum>, %select_n3A_67 masked %reduce_sum3A_69 : vector<16xf32>, vector<16xi1> -> vector<16xf32>
    %reduce_sum3A_71 = vector.extract %reduce_sum3A_70[15] : f32 from vector<16xf32>
    %eq3A_72 = arith.constant 1 : i32
    %eq3A_73 = vector.broadcast %eq3A_72 : i32 to vector<16xi32>
    %eq3A_74 = arith.cmpi eq, %iota3A, %eq3A_73 : vector<16xi32>
    %jit3A_75 = arith.constant 0.000000e+00 : f32
    %broadcast_in_dim3A_76 = vector.broadcast %jit3A_75 : f32 to vector<16xf32>
    %select_n3A_77 = arith.select %eq3A_74, %get3A_34, %broadcast_in_dim3A_76 : vector<16xi1>, vector<16xf32>
    %reduce_sum3A_78 = arith.constant true
    %reduce_sum3A_79 = vector.broadcast %reduce_sum3A_78 : i1 to vector<16xi1>
    %reduce_sum3A_80 = tpu.scan <sum>, %select_n3A_77 masked %reduce_sum3A_79 : vector<16xf32>, vector<16xi1> -> vector<16xf32>
    %reduce_sum3A_81 = vector.extract %reduce_sum3A_80[15] : f32 from vector<16xf32>
    %jit3A_82 = arith.constant 0.000000e+00 : f32
    %broadcast_in_dim3A_83 = vector.broadcast %jit3A_82 : f32 to vector<16xf32>
    %select_n3A_84 = arith.select %eq3A_74, %get3A_36, %broadcast_in_dim3A_83 : vector<16xi1>, vector<16xf32>
    %reduce_sum3A_85 = arith.constant true
    %reduce_sum3A_86 = vector.broadcast %reduce_sum3A_85 : i1 to vector<16xi1>
    %reduce_sum3A_87 = tpu.scan <sum>, %select_n3A_84 masked %reduce_sum3A_86 : vector<16xf32>, vector<16xi1> -> vector<16xf32>
    %reduce_sum3A_88 = vector.extract %reduce_sum3A_87[15] : f32 from vector<16xf32>
    %jit3A_89 = arith.constant 0.000000e+00 : f32
    %broadcast_in_dim3A_90 = vector.broadcast %jit3A_89 : f32 to vector<16xf32>
    %select_n3A_91 = arith.select %eq3A_74, %get3A_38, %broadcast_in_dim3A_90 : vector<16xi1>, vector<16xf32>
    %reduce_sum3A_92 = arith.constant true
    %reduce_sum3A_93 = vector.broadcast %reduce_sum3A_92 : i1 to vector<16xi1>
    %reduce_sum3A_94 = tpu.scan <sum>, %select_n3A_91 masked %reduce_sum3A_93 : vector<16xf32>, vector<16xi1> -> vector<16xf32>
    %reduce_sum3A_95 = vector.extract %reduce_sum3A_94[15] : f32 from vector<16xf32>
    %jit3A_96 = arith.constant 0.000000e+00 : f32
    %broadcast_in_dim3A_97 = vector.broadcast %jit3A_96 : f32 to vector<16xf32>
    %select_n3A_98 = arith.select %eq3A_74, %get3A_40, %broadcast_in_dim3A_97 : vector<16xi1>, vector<16xf32>
    %reduce_sum3A_99 = arith.constant true
    %reduce_sum3A_100 = vector.broadcast %reduce_sum3A_99 : i1 to vector<16xi1>
    %reduce_sum3A_101 = tpu.scan <sum>, %select_n3A_98 masked %reduce_sum3A_100 : vector<16xf32>, vector<16xi1> -> vector<16xf32>
    %reduce_sum3A_102 = vector.extract %reduce_sum3A_101[15] : f32 from vector<16xf32>
    %eq3A_103 = arith.constant 2 : i32
    %eq3A_104 = vector.broadcast %eq3A_103 : i32 to vector<16xi32>
    %eq3A_105 = arith.cmpi eq, %iota3A, %eq3A_104 : vector<16xi32>
    %jit3A_106 = arith.constant 0.000000e+00 : f32
    %broadcast_in_dim3A_107 = vector.broadcast %jit3A_106 : f32 to vector<16xf32>
    %select_n3A_108 = arith.select %eq3A_105, %get3A_34, %broadcast_in_dim3A_107 : vector<16xi1>, vector<16xf32>
    %reduce_sum3A_109 = arith.constant true
    %reduce_sum3A_110 = vector.broadcast %reduce_sum3A_109 : i1 to vector<16xi1>
    %reduce_sum3A_111 = tpu.scan <sum>, %select_n3A_108 masked %reduce_sum3A_110 : vector<16xf32>, vector<16xi1> -> vector<16xf32>
    %reduce_sum3A_112 = vector.extract %reduce_sum3A_111[15] : f32 from vector<16xf32>
    %jit3A_113 = arith.constant 0.000000e+00 : f32
    %broadcast_in_dim3A_114 = vector.broadcast %jit3A_113 : f32 to vector<16xf32>
    %select_n3A_115 = arith.select %eq3A_105, %get3A_36, %broadcast_in_dim3A_114 : vector<16xi1>, vector<16xf32>
    %reduce_sum3A_116 = arith.constant true
    %reduce_sum3A_117 = vector.broadcast %reduce_sum3A_116 : i1 to vector<16xi1>
    %reduce_sum3A_118 = tpu.scan <sum>, %select_n3A_115 masked %reduce_sum3A_117 : vector<16xf32>, vector<16xi1> -> vector<16xf32>
    %reduce_sum3A_119 = vector.extract %reduce_sum3A_118[15] : f32 from vector<16xf32>
    %jit3A_120 = arith.constant 0.000000e+00 : f32
    %broadcast_in_dim3A_121 = vector.broadcast %jit3A_120 : f32 to vector<16xf32>
    %select_n3A_122 = arith.select %eq3A_105, %get3A_38, %broadcast_in_dim3A_121 : vector<16xi1>, vector<16xf32>
    %reduce_sum3A_123 = arith.constant true
    %reduce_sum3A_124 = vector.broadcast %reduce_sum3A_123 : i1 to vector<16xi1>
    %reduce_sum3A_125 = tpu.scan <sum>, %select_n3A_122 masked %reduce_sum3A_124 : vector<16xf32>, vector<16xi1> -> vector<16xf32>
    %reduce_sum3A_126 = vector.extract %reduce_sum3A_125[15] : f32 from vector<16xf32>
    %jit3A_127 = arith.constant 0.000000e+00 : f32
    %broadcast_in_dim3A_128 = vector.broadcast %jit3A_127 : f32 to vector<16xf32>
    %select_n3A_129 = arith.select %eq3A_105, %get3A_40, %broadcast_in_dim3A_128 : vector<16xi1>, vector<16xf32>
    %reduce_sum3A_130 = arith.constant true
    %reduce_sum3A_131 = vector.broadcast %reduce_sum3A_130 : i1 to vector<16xi1>
    %reduce_sum3A_132 = tpu.scan <sum>, %select_n3A_129 masked %reduce_sum3A_131 : vector<16xf32>, vector<16xi1> -> vector<16xf32>
    %reduce_sum3A_133 = vector.extract %reduce_sum3A_132[15] : f32 from vector<16xf32>
    %eq3A_134 = arith.constant 3 : i32
    %eq3A_135 = vector.broadcast %eq3A_134 : i32 to vector<16xi32>
    %eq3A_136 = arith.cmpi eq, %iota3A, %eq3A_135 : vector<16xi32>
    %jit3A_137 = arith.constant 0.000000e+00 : f32
    %broadcast_in_dim3A_138 = vector.broadcast %jit3A_137 : f32 to vector<16xf32>
    %select_n3A_139 = arith.select %eq3A_136, %get3A_34, %broadcast_in_dim3A_138 : vector<16xi1>, vector<16xf32>
    %reduce_sum3A_140 = arith.constant true
    %reduce_sum3A_141 = vector.broadcast %reduce_sum3A_140 : i1 to vector<16xi1>
    %reduce_sum3A_142 = tpu.scan <sum>, %select_n3A_139 masked %reduce_sum3A_141 : vector<16xf32>, vector<16xi1> -> vector<16xf32>
    %reduce_sum3A_143 = vector.extract %reduce_sum3A_142[15] : f32 from vector<16xf32>
    %jit3A_144 = arith.constant 0.000000e+00 : f32
    %broadcast_in_dim3A_145 = vector.broadcast %jit3A_144 : f32 to vector<16xf32>
    %select_n3A_146 = arith.select %eq3A_136, %get3A_36, %broadcast_in_dim3A_145 : vector<16xi1>, vector<16xf32>
    %reduce_sum3A_147 = arith.constant true
    %reduce_sum3A_148 = vector.broadcast %reduce_sum3A_147 : i1 to vector<16xi1>
    %reduce_sum3A_149 = tpu.scan <sum>, %select_n3A_146 masked %reduce_sum3A_148 : vector<16xf32>, vector<16xi1> -> vector<16xf32>
    %reduce_sum3A_150 = vector.extract %reduce_sum3A_149[15] : f32 from vector<16xf32>
    %jit3A_151 = arith.constant 0.000000e+00 : f32
    %broadcast_in_dim3A_152 = vector.broadcast %jit3A_151 : f32 to vector<16xf32>
    %select_n3A_153 = arith.select %eq3A_136, %get3A_38, %broadcast_in_dim3A_152 : vector<16xi1>, vector<16xf32>
    %reduce_sum3A_154 = arith.constant true
    %reduce_sum3A_155 = vector.broadcast %reduce_sum3A_154 : i1 to vector<16xi1>
    %reduce_sum3A_156 = tpu.scan <sum>, %select_n3A_153 masked %reduce_sum3A_155 : vector<16xf32>, vector<16xi1> -> vector<16xf32>
    %reduce_sum3A_157 = vector.extract %reduce_sum3A_156[15] : f32 from vector<16xf32>
    %jit3A_158 = arith.constant 0.000000e+00 : f32
    %broadcast_in_dim3A_159 = vector.broadcast %jit3A_158 : f32 to vector<16xf32>
    %select_n3A_160 = arith.select %eq3A_136, %get3A_40, %broadcast_in_dim3A_159 : vector<16xi1>, vector<16xf32>
    %reduce_sum3A_161 = arith.constant true
    %reduce_sum3A_162 = vector.broadcast %reduce_sum3A_161 : i1 to vector<16xi1>
    %reduce_sum3A_163 = tpu.scan <sum>, %select_n3A_160 masked %reduce_sum3A_162 : vector<16xf32>, vector<16xi1> -> vector<16xf32>
    %reduce_sum3A_164 = vector.extract %reduce_sum3A_163[15] : f32 from vector<16xf32>
    %eq3A_165 = arith.constant 4 : i32
    %eq3A_166 = vector.broadcast %eq3A_165 : i32 to vector<16xi32>
    %eq3A_167 = arith.cmpi eq, %iota3A, %eq3A_166 : vector<16xi32>
    %jit3A_168 = arith.constant 0.000000e+00 : f32
    %broadcast_in_dim3A_169 = vector.broadcast %jit3A_168 : f32 to vector<16xf32>
    %select_n3A_170 = arith.select %eq3A_167, %get3A_34, %broadcast_in_dim3A_169 : vector<16xi1>, vector<16xf32>
    %reduce_sum3A_171 = arith.constant true
    %reduce_sum3A_172 = vector.broadcast %reduce_sum3A_171 : i1 to vector<16xi1>
    %reduce_sum3A_173 = tpu.scan <sum>, %select_n3A_170 masked %reduce_sum3A_172 : vector<16xf32>, vector<16xi1> -> vector<16xf32>
    %reduce_sum3A_174 = vector.extract %reduce_sum3A_173[15] : f32 from vector<16xf32>
    %jit3A_175 = arith.constant 0.000000e+00 : f32
    %broadcast_in_dim3A_176 = vector.broadcast %jit3A_175 : f32 to vector<16xf32>
    %select_n3A_177 = arith.select %eq3A_167, %get3A_36, %broadcast_in_dim3A_176 : vector<16xi1>, vector<16xf32>
    %reduce_sum3A_178 = arith.constant true
    %reduce_sum3A_179 = vector.broadcast %reduce_sum3A_178 : i1 to vector<16xi1>
    %reduce_sum3A_180 = tpu.scan <sum>, %select_n3A_177 masked %reduce_sum3A_179 : vector<16xf32>, vector<16xi1> -> vector<16xf32>
    %reduce_sum3A_181 = vector.extract %reduce_sum3A_180[15] : f32 from vector<16xf32>
    %jit3A_182 = arith.constant 0.000000e+00 : f32
    %broadcast_in_dim3A_183 = vector.broadcast %jit3A_182 : f32 to vector<16xf32>
    %select_n3A_184 = arith.select %eq3A_167, %get3A_38, %broadcast_in_dim3A_183 : vector<16xi1>, vector<16xf32>
    %reduce_sum3A_185 = arith.constant true
    %reduce_sum3A_186 = vector.broadcast %reduce_sum3A_185 : i1 to vector<16xi1>
    %reduce_sum3A_187 = tpu.scan <sum>, %select_n3A_184 masked %reduce_sum3A_186 : vector<16xf32>, vector<16xi1> -> vector<16xf32>
    %reduce_sum3A_188 = vector.extract %reduce_sum3A_187[15] : f32 from vector<16xf32>
    %jit3A_189 = arith.constant 0.000000e+00 : f32
    %broadcast_in_dim3A_190 = vector.broadcast %jit3A_189 : f32 to vector<16xf32>
    %select_n3A_191 = arith.select %eq3A_167, %get3A_40, %broadcast_in_dim3A_190 : vector<16xi1>, vector<16xf32>
    %reduce_sum3A_192 = arith.constant true
    %reduce_sum3A_193 = vector.broadcast %reduce_sum3A_192 : i1 to vector<16xi1>
    %reduce_sum3A_194 = tpu.scan <sum>, %select_n3A_191 masked %reduce_sum3A_193 : vector<16xf32>, vector<16xi1> -> vector<16xf32>
    %reduce_sum3A_195 = vector.extract %reduce_sum3A_194[15] : f32 from vector<16xf32>
    %eq3A_196 = arith.constant 5 : i32
    %eq3A_197 = vector.broadcast %eq3A_196 : i32 to vector<16xi32>
    %eq3A_198 = arith.cmpi eq, %iota3A, %eq3A_197 : vector<16xi32>
    %jit3A_199 = arith.constant 0.000000e+00 : f32
    %broadcast_in_dim3A_200 = vector.broadcast %jit3A_199 : f32 to vector<16xf32>
    %select_n3A_201 = arith.select %eq3A_198, %get3A_34, %broadcast_in_dim3A_200 : vector<16xi1>, vector<16xf32>
    %reduce_sum3A_202 = arith.constant true
    %reduce_sum3A_203 = vector.broadcast %reduce_sum3A_202 : i1 to vector<16xi1>
    %reduce_sum3A_204 = tpu.scan <sum>, %select_n3A_201 masked %reduce_sum3A_203 : vector<16xf32>, vector<16xi1> -> vector<16xf32>
    %reduce_sum3A_205 = vector.extract %reduce_sum3A_204[15] : f32 from vector<16xf32>
    %jit3A_206 = arith.constant 0.000000e+00 : f32
    %broadcast_in_dim3A_207 = vector.broadcast %jit3A_206 : f32 to vector<16xf32>
    %select_n3A_208 = arith.select %eq3A_198, %get3A_36, %broadcast_in_dim3A_207 : vector<16xi1>, vector<16xf32>
    %reduce_sum3A_209 = arith.constant true
    %reduce_sum3A_210 = vector.broadcast %reduce_sum3A_209 : i1 to vector<16xi1>
    %reduce_sum3A_211 = tpu.scan <sum>, %select_n3A_208 masked %reduce_sum3A_210 : vector<16xf32>, vector<16xi1> -> vector<16xf32>
    %reduce_sum3A_212 = vector.extract %reduce_sum3A_211[15] : f32 from vector<16xf32>
    %jit3A_213 = arith.constant 0.000000e+00 : f32
    %broadcast_in_dim3A_214 = vector.broadcast %jit3A_213 : f32 to vector<16xf32>
    %select_n3A_215 = arith.select %eq3A_198, %get3A_38, %broadcast_in_dim3A_214 : vector<16xi1>, vector<16xf32>
    %reduce_sum3A_216 = arith.constant true
    %reduce_sum3A_217 = vector.broadcast %reduce_sum3A_216 : i1 to vector<16xi1>
    %reduce_sum3A_218 = tpu.scan <sum>, %select_n3A_215 masked %reduce_sum3A_217 : vector<16xf32>, vector<16xi1> -> vector<16xf32>
    %reduce_sum3A_219 = vector.extract %reduce_sum3A_218[15] : f32 from vector<16xf32>
    %jit3A_220 = arith.constant 0.000000e+00 : f32
    %broadcast_in_dim3A_221 = vector.broadcast %jit3A_220 : f32 to vector<16xf32>
    %select_n3A_222 = arith.select %eq3A_198, %get3A_40, %broadcast_in_dim3A_221 : vector<16xi1>, vector<16xf32>
    %reduce_sum3A_223 = arith.constant true
    %reduce_sum3A_224 = vector.broadcast %reduce_sum3A_223 : i1 to vector<16xi1>
    %reduce_sum3A_225 = tpu.scan <sum>, %select_n3A_222 masked %reduce_sum3A_224 : vector<16xf32>, vector<16xi1> -> vector<16xf32>
    %reduce_sum3A_226 = vector.extract %reduce_sum3A_225[15] : f32 from vector<16xf32>
    %eq3A_227 = arith.constant 6 : i32
    %eq3A_228 = vector.broadcast %eq3A_227 : i32 to vector<16xi32>
    %eq3A_229 = arith.cmpi eq, %iota3A, %eq3A_228 : vector<16xi32>
    %jit3A_230 = arith.constant 0.000000e+00 : f32
    %broadcast_in_dim3A_231 = vector.broadcast %jit3A_230 : f32 to vector<16xf32>
    %select_n3A_232 = arith.select %eq3A_229, %get3A_34, %broadcast_in_dim3A_231 : vector<16xi1>, vector<16xf32>
    %reduce_sum3A_233 = arith.constant true
    %reduce_sum3A_234 = vector.broadcast %reduce_sum3A_233 : i1 to vector<16xi1>
    %reduce_sum3A_235 = tpu.scan <sum>, %select_n3A_232 masked %reduce_sum3A_234 : vector<16xf32>, vector<16xi1> -> vector<16xf32>
    %reduce_sum3A_236 = vector.extract %reduce_sum3A_235[15] : f32 from vector<16xf32>
    %jit3A_237 = arith.constant 0.000000e+00 : f32
    %broadcast_in_dim3A_238 = vector.broadcast %jit3A_237 : f32 to vector<16xf32>
    %select_n3A_239 = arith.select %eq3A_229, %get3A_36, %broadcast_in_dim3A_238 : vector<16xi1>, vector<16xf32>
    %reduce_sum3A_240 = arith.constant true
    %reduce_sum3A_241 = vector.broadcast %reduce_sum3A_240 : i1 to vector<16xi1>
    %reduce_sum3A_242 = tpu.scan <sum>, %select_n3A_239 masked %reduce_sum3A_241 : vector<16xf32>, vector<16xi1> -> vector<16xf32>
    %reduce_sum3A_243 = vector.extract %reduce_sum3A_242[15] : f32 from vector<16xf32>
    %jit3A_244 = arith.constant 0.000000e+00 : f32
    %broadcast_in_dim3A_245 = vector.broadcast %jit3A_244 : f32 to vector<16xf32>
    %select_n3A_246 = arith.select %eq3A_229, %get3A_38, %broadcast_in_dim3A_245 : vector<16xi1>, vector<16xf32>
    %reduce_sum3A_247 = arith.constant true
    %reduce_sum3A_248 = vector.broadcast %reduce_sum3A_247 : i1 to vector<16xi1>
    %reduce_sum3A_249 = tpu.scan <sum>, %select_n3A_246 masked %reduce_sum3A_248 : vector<16xf32>, vector<16xi1> -> vector<16xf32>
    %reduce_sum3A_250 = vector.extract %reduce_sum3A_249[15] : f32 from vector<16xf32>
    %jit3A_251 = arith.constant 0.000000e+00 : f32
    %broadcast_in_dim3A_252 = vector.broadcast %jit3A_251 : f32 to vector<16xf32>
    %select_n3A_253 = arith.select %eq3A_229, %get3A_40, %broadcast_in_dim3A_252 : vector<16xi1>, vector<16xf32>
    %reduce_sum3A_254 = arith.constant true
    %reduce_sum3A_255 = vector.broadcast %reduce_sum3A_254 : i1 to vector<16xi1>
    %reduce_sum3A_256 = tpu.scan <sum>, %select_n3A_253 masked %reduce_sum3A_255 : vector<16xf32>, vector<16xi1> -> vector<16xf32>
    %reduce_sum3A_257 = vector.extract %reduce_sum3A_256[15] : f32 from vector<16xf32>
    %eq3A_258 = arith.constant 7 : i32
    %eq3A_259 = vector.broadcast %eq3A_258 : i32 to vector<16xi32>
    %eq3A_260 = arith.cmpi eq, %iota3A, %eq3A_259 : vector<16xi32>
    %jit3A_261 = arith.constant 0.000000e+00 : f32
    %broadcast_in_dim3A_262 = vector.broadcast %jit3A_261 : f32 to vector<16xf32>
    %select_n3A_263 = arith.select %eq3A_260, %get3A_34, %broadcast_in_dim3A_262 : vector<16xi1>, vector<16xf32>
    %reduce_sum3A_264 = arith.constant true
    %reduce_sum3A_265 = vector.broadcast %reduce_sum3A_264 : i1 to vector<16xi1>
    %reduce_sum3A_266 = tpu.scan <sum>, %select_n3A_263 masked %reduce_sum3A_265 : vector<16xf32>, vector<16xi1> -> vector<16xf32>
    %reduce_sum3A_267 = vector.extract %reduce_sum3A_266[15] : f32 from vector<16xf32>
    %jit3A_268 = arith.constant 0.000000e+00 : f32
    %broadcast_in_dim3A_269 = vector.broadcast %jit3A_268 : f32 to vector<16xf32>
    %select_n3A_270 = arith.select %eq3A_260, %get3A_36, %broadcast_in_dim3A_269 : vector<16xi1>, vector<16xf32>
    %reduce_sum3A_271 = arith.constant true
    %reduce_sum3A_272 = vector.broadcast %reduce_sum3A_271 : i1 to vector<16xi1>
    %reduce_sum3A_273 = tpu.scan <sum>, %select_n3A_270 masked %reduce_sum3A_272 : vector<16xf32>, vector<16xi1> -> vector<16xf32>
    %reduce_sum3A_274 = vector.extract %reduce_sum3A_273[15] : f32 from vector<16xf32>
    %jit3A_275 = arith.constant 0.000000e+00 : f32
    %broadcast_in_dim3A_276 = vector.broadcast %jit3A_275 : f32 to vector<16xf32>
    %select_n3A_277 = arith.select %eq3A_260, %get3A_38, %broadcast_in_dim3A_276 : vector<16xi1>, vector<16xf32>
    %reduce_sum3A_278 = arith.constant true
    %reduce_sum3A_279 = vector.broadcast %reduce_sum3A_278 : i1 to vector<16xi1>
    %reduce_sum3A_280 = tpu.scan <sum>, %select_n3A_277 masked %reduce_sum3A_279 : vector<16xf32>, vector<16xi1> -> vector<16xf32>
    %reduce_sum3A_281 = vector.extract %reduce_sum3A_280[15] : f32 from vector<16xf32>
    %jit3A_282 = arith.constant 0.000000e+00 : f32
    %broadcast_in_dim3A_283 = vector.broadcast %jit3A_282 : f32 to vector<16xf32>
    %select_n3A_284 = arith.select %eq3A_260, %get3A_40, %broadcast_in_dim3A_283 : vector<16xi1>, vector<16xf32>
    %reduce_sum3A_285 = arith.constant true
    %reduce_sum3A_286 = vector.broadcast %reduce_sum3A_285 : i1 to vector<16xi1>
    %reduce_sum3A_287 = tpu.scan <sum>, %select_n3A_284 masked %reduce_sum3A_286 : vector<16xf32>, vector<16xi1> -> vector<16xf32>
    %reduce_sum3A_288 = vector.extract %reduce_sum3A_287[15] : f32 from vector<16xf32>
    %eq3A_289 = arith.constant 8 : i32
    %eq3A_290 = vector.broadcast %eq3A_289 : i32 to vector<16xi32>
    %eq3A_291 = arith.cmpi eq, %iota3A, %eq3A_290 : vector<16xi32>
    %jit3A_292 = arith.constant 0.000000e+00 : f32
    %broadcast_in_dim3A_293 = vector.broadcast %jit3A_292 : f32 to vector<16xf32>
    %select_n3A_294 = arith.select %eq3A_291, %get3A_34, %broadcast_in_dim3A_293 : vector<16xi1>, vector<16xf32>
    %reduce_sum3A_295 = arith.constant true
    %reduce_sum3A_296 = vector.broadcast %reduce_sum3A_295 : i1 to vector<16xi1>
    %reduce_sum3A_297 = tpu.scan <sum>, %select_n3A_294 masked %reduce_sum3A_296 : vector<16xf32>, vector<16xi1> -> vector<16xf32>
    %reduce_sum3A_298 = vector.extract %reduce_sum3A_297[15] : f32 from vector<16xf32>
    %jit3A_299 = arith.constant 0.000000e+00 : f32
    %broadcast_in_dim3A_300 = vector.broadcast %jit3A_299 : f32 to vector<16xf32>
    %select_n3A_301 = arith.select %eq3A_291, %get3A_36, %broadcast_in_dim3A_300 : vector<16xi1>, vector<16xf32>
    %reduce_sum3A_302 = arith.constant true
    %reduce_sum3A_303 = vector.broadcast %reduce_sum3A_302 : i1 to vector<16xi1>
    %reduce_sum3A_304 = tpu.scan <sum>, %select_n3A_301 masked %reduce_sum3A_303 : vector<16xf32>, vector<16xi1> -> vector<16xf32>
    %reduce_sum3A_305 = vector.extract %reduce_sum3A_304[15] : f32 from vector<16xf32>
    %jit3A_306 = arith.constant 0.000000e+00 : f32
    %broadcast_in_dim3A_307 = vector.broadcast %jit3A_306 : f32 to vector<16xf32>
    %select_n3A_308 = arith.select %eq3A_291, %get3A_38, %broadcast_in_dim3A_307 : vector<16xi1>, vector<16xf32>
    %reduce_sum3A_309 = arith.constant true
    %reduce_sum3A_310 = vector.broadcast %reduce_sum3A_309 : i1 to vector<16xi1>
    %reduce_sum3A_311 = tpu.scan <sum>, %select_n3A_308 masked %reduce_sum3A_310 : vector<16xf32>, vector<16xi1> -> vector<16xf32>
    %reduce_sum3A_312 = vector.extract %reduce_sum3A_311[15] : f32 from vector<16xf32>
    %jit3A_313 = arith.constant 0.000000e+00 : f32
    %broadcast_in_dim3A_314 = vector.broadcast %jit3A_313 : f32 to vector<16xf32>
    %select_n3A_315 = arith.select %eq3A_291, %get3A_40, %broadcast_in_dim3A_314 : vector<16xi1>, vector<16xf32>
    %reduce_sum3A_316 = arith.constant true
    %reduce_sum3A_317 = vector.broadcast %reduce_sum3A_316 : i1 to vector<16xi1>
    %reduce_sum3A_318 = tpu.scan <sum>, %select_n3A_315 masked %reduce_sum3A_317 : vector<16xf32>, vector<16xi1> -> vector<16xf32>
    %reduce_sum3A_319 = vector.extract %reduce_sum3A_318[15] : f32 from vector<16xf32>
    %eq3A_320 = arith.constant 9 : i32
    %eq3A_321 = vector.broadcast %eq3A_320 : i32 to vector<16xi32>
    %eq3A_322 = arith.cmpi eq, %iota3A, %eq3A_321 : vector<16xi32>
    %jit3A_323 = arith.constant 0.000000e+00 : f32
    %broadcast_in_dim3A_324 = vector.broadcast %jit3A_323 : f32 to vector<16xf32>
    %select_n3A_325 = arith.select %eq3A_322, %get3A_34, %broadcast_in_dim3A_324 : vector<16xi1>, vector<16xf32>
    %reduce_sum3A_326 = arith.constant true
    %reduce_sum3A_327 = vector.broadcast %reduce_sum3A_326 : i1 to vector<16xi1>
    %reduce_sum3A_328 = tpu.scan <sum>, %select_n3A_325 masked %reduce_sum3A_327 : vector<16xf32>, vector<16xi1> -> vector<16xf32>
    %reduce_sum3A_329 = vector.extract %reduce_sum3A_328[15] : f32 from vector<16xf32>
    %jit3A_330 = arith.constant 0.000000e+00 : f32
    %broadcast_in_dim3A_331 = vector.broadcast %jit3A_330 : f32 to vector<16xf32>
    %select_n3A_332 = arith.select %eq3A_322, %get3A_36, %broadcast_in_dim3A_331 : vector<16xi1>, vector<16xf32>
    %reduce_sum3A_333 = arith.constant true
    %reduce_sum3A_334 = vector.broadcast %reduce_sum3A_333 : i1 to vector<16xi1>
    %reduce_sum3A_335 = tpu.scan <sum>, %select_n3A_332 masked %reduce_sum3A_334 : vector<16xf32>, vector<16xi1> -> vector<16xf32>
    %reduce_sum3A_336 = vector.extract %reduce_sum3A_335[15] : f32 from vector<16xf32>
    %jit3A_337 = arith.constant 0.000000e+00 : f32
    %broadcast_in_dim3A_338 = vector.broadcast %jit3A_337 : f32 to vector<16xf32>
    %select_n3A_339 = arith.select %eq3A_322, %get3A_38, %broadcast_in_dim3A_338 : vector<16xi1>, vector<16xf32>
    %reduce_sum3A_340 = arith.constant true
    %reduce_sum3A_341 = vector.broadcast %reduce_sum3A_340 : i1 to vector<16xi1>
    %reduce_sum3A_342 = tpu.scan <sum>, %select_n3A_339 masked %reduce_sum3A_341 : vector<16xf32>, vector<16xi1> -> vector<16xf32>
    %reduce_sum3A_343 = vector.extract %reduce_sum3A_342[15] : f32 from vector<16xf32>
    %jit3A_344 = arith.constant 0.000000e+00 : f32
    %broadcast_in_dim3A_345 = vector.broadcast %jit3A_344 : f32 to vector<16xf32>
    %select_n3A_346 = arith.select %eq3A_322, %get3A_40, %broadcast_in_dim3A_345 : vector<16xi1>, vector<16xf32>
    %reduce_sum3A_347 = arith.constant true
    %reduce_sum3A_348 = vector.broadcast %reduce_sum3A_347 : i1 to vector<16xi1>
    %reduce_sum3A_349 = tpu.scan <sum>, %select_n3A_346 masked %reduce_sum3A_348 : vector<16xf32>, vector<16xi1> -> vector<16xf32>
    %reduce_sum3A_350 = vector.extract %reduce_sum3A_349[15] : f32 from vector<16xf32>
    %eq3A_351 = arith.constant 10 : i32
    %eq3A_352 = vector.broadcast %eq3A_351 : i32 to vector<16xi32>
    %eq3A_353 = arith.cmpi eq, %iota3A, %eq3A_352 : vector<16xi32>
    %jit3A_354 = arith.constant 0.000000e+00 : f32
    %broadcast_in_dim3A_355 = vector.broadcast %jit3A_354 : f32 to vector<16xf32>
    %select_n3A_356 = arith.select %eq3A_353, %get3A_34, %broadcast_in_dim3A_355 : vector<16xi1>, vector<16xf32>
    %reduce_sum3A_357 = arith.constant true
    %reduce_sum3A_358 = vector.broadcast %reduce_sum3A_357 : i1 to vector<16xi1>
    %reduce_sum3A_359 = tpu.scan <sum>, %select_n3A_356 masked %reduce_sum3A_358 : vector<16xf32>, vector<16xi1> -> vector<16xf32>
    %reduce_sum3A_360 = vector.extract %reduce_sum3A_359[15] : f32 from vector<16xf32>
    %jit3A_361 = arith.constant 0.000000e+00 : f32
    %broadcast_in_dim3A_362 = vector.broadcast %jit3A_361 : f32 to vector<16xf32>
    %select_n3A_363 = arith.select %eq3A_353, %get3A_36, %broadcast_in_dim3A_362 : vector<16xi1>, vector<16xf32>
    %reduce_sum3A_364 = arith.constant true
    %reduce_sum3A_365 = vector.broadcast %reduce_sum3A_364 : i1 to vector<16xi1>
    %reduce_sum3A_366 = tpu.scan <sum>, %select_n3A_363 masked %reduce_sum3A_365 : vector<16xf32>, vector<16xi1> -> vector<16xf32>
    %reduce_sum3A_367 = vector.extract %reduce_sum3A_366[15] : f32 from vector<16xf32>
    %jit3A_368 = arith.constant 0.000000e+00 : f32
    %broadcast_in_dim3A_369 = vector.broadcast %jit3A_368 : f32 to vector<16xf32>
    %select_n3A_370 = arith.select %eq3A_353, %get3A_38, %broadcast_in_dim3A_369 : vector<16xi1>, vector<16xf32>
    %reduce_sum3A_371 = arith.constant true
    %reduce_sum3A_372 = vector.broadcast %reduce_sum3A_371 : i1 to vector<16xi1>
    %reduce_sum3A_373 = tpu.scan <sum>, %select_n3A_370 masked %reduce_sum3A_372 : vector<16xf32>, vector<16xi1> -> vector<16xf32>
    %reduce_sum3A_374 = vector.extract %reduce_sum3A_373[15] : f32 from vector<16xf32>
    %jit3A_375 = arith.constant 0.000000e+00 : f32
    %broadcast_in_dim3A_376 = vector.broadcast %jit3A_375 : f32 to vector<16xf32>
    %select_n3A_377 = arith.select %eq3A_353, %get3A_40, %broadcast_in_dim3A_376 : vector<16xi1>, vector<16xf32>
    %reduce_sum3A_378 = arith.constant true
    %reduce_sum3A_379 = vector.broadcast %reduce_sum3A_378 : i1 to vector<16xi1>
    %reduce_sum3A_380 = tpu.scan <sum>, %select_n3A_377 masked %reduce_sum3A_379 : vector<16xf32>, vector<16xi1> -> vector<16xf32>
    %reduce_sum3A_381 = vector.extract %reduce_sum3A_380[15] : f32 from vector<16xf32>
    %eq3A_382 = arith.constant 11 : i32
    %eq3A_383 = vector.broadcast %eq3A_382 : i32 to vector<16xi32>
    %eq3A_384 = arith.cmpi eq, %iota3A, %eq3A_383 : vector<16xi32>
    %jit3A_385 = arith.constant 0.000000e+00 : f32
    %broadcast_in_dim3A_386 = vector.broadcast %jit3A_385 : f32 to vector<16xf32>
    %select_n3A_387 = arith.select %eq3A_384, %get3A_34, %broadcast_in_dim3A_386 : vector<16xi1>, vector<16xf32>
    %reduce_sum3A_388 = arith.constant true
    %reduce_sum3A_389 = vector.broadcast %reduce_sum3A_388 : i1 to vector<16xi1>
    %reduce_sum3A_390 = tpu.scan <sum>, %select_n3A_387 masked %reduce_sum3A_389 : vector<16xf32>, vector<16xi1> -> vector<16xf32>
    %reduce_sum3A_391 = vector.extract %reduce_sum3A_390[15] : f32 from vector<16xf32>
    %jit3A_392 = arith.constant 0.000000e+00 : f32
    %broadcast_in_dim3A_393 = vector.broadcast %jit3A_392 : f32 to vector<16xf32>
    %select_n3A_394 = arith.select %eq3A_384, %get3A_36, %broadcast_in_dim3A_393 : vector<16xi1>, vector<16xf32>
    %reduce_sum3A_395 = arith.constant true
    %reduce_sum3A_396 = vector.broadcast %reduce_sum3A_395 : i1 to vector<16xi1>
    %reduce_sum3A_397 = tpu.scan <sum>, %select_n3A_394 masked %reduce_sum3A_396 : vector<16xf32>, vector<16xi1> -> vector<16xf32>
    %reduce_sum3A_398 = vector.extract %reduce_sum3A_397[15] : f32 from vector<16xf32>
    %jit3A_399 = arith.constant 0.000000e+00 : f32
    %broadcast_in_dim3A_400 = vector.broadcast %jit3A_399 : f32 to vector<16xf32>
    %select_n3A_401 = arith.select %eq3A_384, %get3A_38, %broadcast_in_dim3A_400 : vector<16xi1>, vector<16xf32>
    %reduce_sum3A_402 = arith.constant true
    %reduce_sum3A_403 = vector.broadcast %reduce_sum3A_402 : i1 to vector<16xi1>
    %reduce_sum3A_404 = tpu.scan <sum>, %select_n3A_401 masked %reduce_sum3A_403 : vector<16xf32>, vector<16xi1> -> vector<16xf32>
    %reduce_sum3A_405 = vector.extract %reduce_sum3A_404[15] : f32 from vector<16xf32>
    %jit3A_406 = arith.constant 0.000000e+00 : f32
    %broadcast_in_dim3A_407 = vector.broadcast %jit3A_406 : f32 to vector<16xf32>
    %select_n3A_408 = arith.select %eq3A_384, %get3A_40, %broadcast_in_dim3A_407 : vector<16xi1>, vector<16xf32>
    %reduce_sum3A_409 = arith.constant true
    %reduce_sum3A_410 = vector.broadcast %reduce_sum3A_409 : i1 to vector<16xi1>
    %reduce_sum3A_411 = tpu.scan <sum>, %select_n3A_408 masked %reduce_sum3A_410 : vector<16xf32>, vector<16xi1> -> vector<16xf32>
    %reduce_sum3A_412 = vector.extract %reduce_sum3A_411[15] : f32 from vector<16xf32>
    %eq3A_413 = arith.constant 12 : i32
    %eq3A_414 = vector.broadcast %eq3A_413 : i32 to vector<16xi32>
    %eq3A_415 = arith.cmpi eq, %iota3A, %eq3A_414 : vector<16xi32>
    %jit3A_416 = arith.constant 0.000000e+00 : f32
    %broadcast_in_dim3A_417 = vector.broadcast %jit3A_416 : f32 to vector<16xf32>
    %select_n3A_418 = arith.select %eq3A_415, %get3A_34, %broadcast_in_dim3A_417 : vector<16xi1>, vector<16xf32>
    %reduce_sum3A_419 = arith.constant true
    %reduce_sum3A_420 = vector.broadcast %reduce_sum3A_419 : i1 to vector<16xi1>
    %reduce_sum3A_421 = tpu.scan <sum>, %select_n3A_418 masked %reduce_sum3A_420 : vector<16xf32>, vector<16xi1> -> vector<16xf32>
    %reduce_sum3A_422 = vector.extract %reduce_sum3A_421[15] : f32 from vector<16xf32>
    %jit3A_423 = arith.constant 0.000000e+00 : f32
    %broadcast_in_dim3A_424 = vector.broadcast %jit3A_423 : f32 to vector<16xf32>
    %select_n3A_425 = arith.select %eq3A_415, %get3A_36, %broadcast_in_dim3A_424 : vector<16xi1>, vector<16xf32>
    %reduce_sum3A_426 = arith.constant true
    %reduce_sum3A_427 = vector.broadcast %reduce_sum3A_426 : i1 to vector<16xi1>
    %reduce_sum3A_428 = tpu.scan <sum>, %select_n3A_425 masked %reduce_sum3A_427 : vector<16xf32>, vector<16xi1> -> vector<16xf32>
    %reduce_sum3A_429 = vector.extract %reduce_sum3A_428[15] : f32 from vector<16xf32>
    %jit3A_430 = arith.constant 0.000000e+00 : f32
    %broadcast_in_dim3A_431 = vector.broadcast %jit3A_430 : f32 to vector<16xf32>
    %select_n3A_432 = arith.select %eq3A_415, %get3A_38, %broadcast_in_dim3A_431 : vector<16xi1>, vector<16xf32>
    %reduce_sum3A_433 = arith.constant true
    %reduce_sum3A_434 = vector.broadcast %reduce_sum3A_433 : i1 to vector<16xi1>
    %reduce_sum3A_435 = tpu.scan <sum>, %select_n3A_432 masked %reduce_sum3A_434 : vector<16xf32>, vector<16xi1> -> vector<16xf32>
    %reduce_sum3A_436 = vector.extract %reduce_sum3A_435[15] : f32 from vector<16xf32>
    %jit3A_437 = arith.constant 0.000000e+00 : f32
    %broadcast_in_dim3A_438 = vector.broadcast %jit3A_437 : f32 to vector<16xf32>
    %select_n3A_439 = arith.select %eq3A_415, %get3A_40, %broadcast_in_dim3A_438 : vector<16xi1>, vector<16xf32>
    %reduce_sum3A_440 = arith.constant true
    %reduce_sum3A_441 = vector.broadcast %reduce_sum3A_440 : i1 to vector<16xi1>
    %reduce_sum3A_442 = tpu.scan <sum>, %select_n3A_439 masked %reduce_sum3A_441 : vector<16xf32>, vector<16xi1> -> vector<16xf32>
    %reduce_sum3A_443 = vector.extract %reduce_sum3A_442[15] : f32 from vector<16xf32>
    %eq3A_444 = arith.constant 13 : i32
    %eq3A_445 = vector.broadcast %eq3A_444 : i32 to vector<16xi32>
    %eq3A_446 = arith.cmpi eq, %iota3A, %eq3A_445 : vector<16xi32>
    %jit3A_447 = arith.constant 0.000000e+00 : f32
    %broadcast_in_dim3A_448 = vector.broadcast %jit3A_447 : f32 to vector<16xf32>
    %select_n3A_449 = arith.select %eq3A_446, %get3A_34, %broadcast_in_dim3A_448 : vector<16xi1>, vector<16xf32>
    %reduce_sum3A_450 = arith.constant true
    %reduce_sum3A_451 = vector.broadcast %reduce_sum3A_450 : i1 to vector<16xi1>
    %reduce_sum3A_452 = tpu.scan <sum>, %select_n3A_449 masked %reduce_sum3A_451 : vector<16xf32>, vector<16xi1> -> vector<16xf32>
    %reduce_sum3A_453 = vector.extract %reduce_sum3A_452[15] : f32 from vector<16xf32>
    %jit3A_454 = arith.constant 0.000000e+00 : f32
    %broadcast_in_dim3A_455 = vector.broadcast %jit3A_454 : f32 to vector<16xf32>
    %select_n3A_456 = arith.select %eq3A_446, %get3A_36, %broadcast_in_dim3A_455 : vector<16xi1>, vector<16xf32>
    %reduce_sum3A_457 = arith.constant true
    %reduce_sum3A_458 = vector.broadcast %reduce_sum3A_457 : i1 to vector<16xi1>
    %reduce_sum3A_459 = tpu.scan <sum>, %select_n3A_456 masked %reduce_sum3A_458 : vector<16xf32>, vector<16xi1> -> vector<16xf32>
    %reduce_sum3A_460 = vector.extract %reduce_sum3A_459[15] : f32 from vector<16xf32>
    %jit3A_461 = arith.constant 0.000000e+00 : f32
    %broadcast_in_dim3A_462 = vector.broadcast %jit3A_461 : f32 to vector<16xf32>
    %select_n3A_463 = arith.select %eq3A_446, %get3A_38, %broadcast_in_dim3A_462 : vector<16xi1>, vector<16xf32>
    %reduce_sum3A_464 = arith.constant true
    %reduce_sum3A_465 = vector.broadcast %reduce_sum3A_464 : i1 to vector<16xi1>
    %reduce_sum3A_466 = tpu.scan <sum>, %select_n3A_463 masked %reduce_sum3A_465 : vector<16xf32>, vector<16xi1> -> vector<16xf32>
    %reduce_sum3A_467 = vector.extract %reduce_sum3A_466[15] : f32 from vector<16xf32>
    %jit3A_468 = arith.constant 0.000000e+00 : f32
    %broadcast_in_dim3A_469 = vector.broadcast %jit3A_468 : f32 to vector<16xf32>
    %select_n3A_470 = arith.select %eq3A_446, %get3A_40, %broadcast_in_dim3A_469 : vector<16xi1>, vector<16xf32>
    %reduce_sum3A_471 = arith.constant true
    %reduce_sum3A_472 = vector.broadcast %reduce_sum3A_471 : i1 to vector<16xi1>
    %reduce_sum3A_473 = tpu.scan <sum>, %select_n3A_470 masked %reduce_sum3A_472 : vector<16xf32>, vector<16xi1> -> vector<16xf32>
    %reduce_sum3A_474 = vector.extract %reduce_sum3A_473[15] : f32 from vector<16xf32>
    %eq3A_475 = arith.constant 14 : i32
    %eq3A_476 = vector.broadcast %eq3A_475 : i32 to vector<16xi32>
    %eq3A_477 = arith.cmpi eq, %iota3A, %eq3A_476 : vector<16xi32>
    %jit3A_478 = arith.constant 0.000000e+00 : f32
    %broadcast_in_dim3A_479 = vector.broadcast %jit3A_478 : f32 to vector<16xf32>
    %select_n3A_480 = arith.select %eq3A_477, %get3A_34, %broadcast_in_dim3A_479 : vector<16xi1>, vector<16xf32>
    %reduce_sum3A_481 = arith.constant true
    %reduce_sum3A_482 = vector.broadcast %reduce_sum3A_481 : i1 to vector<16xi1>
    %reduce_sum3A_483 = tpu.scan <sum>, %select_n3A_480 masked %reduce_sum3A_482 : vector<16xf32>, vector<16xi1> -> vector<16xf32>
    %reduce_sum3A_484 = vector.extract %reduce_sum3A_483[15] : f32 from vector<16xf32>
    %jit3A_485 = arith.constant 0.000000e+00 : f32
    %broadcast_in_dim3A_486 = vector.broadcast %jit3A_485 : f32 to vector<16xf32>
    %select_n3A_487 = arith.select %eq3A_477, %get3A_36, %broadcast_in_dim3A_486 : vector<16xi1>, vector<16xf32>
    %reduce_sum3A_488 = arith.constant true
    %reduce_sum3A_489 = vector.broadcast %reduce_sum3A_488 : i1 to vector<16xi1>
    %reduce_sum3A_490 = tpu.scan <sum>, %select_n3A_487 masked %reduce_sum3A_489 : vector<16xf32>, vector<16xi1> -> vector<16xf32>
    %reduce_sum3A_491 = vector.extract %reduce_sum3A_490[15] : f32 from vector<16xf32>
    %jit3A_492 = arith.constant 0.000000e+00 : f32
    %broadcast_in_dim3A_493 = vector.broadcast %jit3A_492 : f32 to vector<16xf32>
    %select_n3A_494 = arith.select %eq3A_477, %get3A_38, %broadcast_in_dim3A_493 : vector<16xi1>, vector<16xf32>
    %reduce_sum3A_495 = arith.constant true
    %reduce_sum3A_496 = vector.broadcast %reduce_sum3A_495 : i1 to vector<16xi1>
    %reduce_sum3A_497 = tpu.scan <sum>, %select_n3A_494 masked %reduce_sum3A_496 : vector<16xf32>, vector<16xi1> -> vector<16xf32>
    %reduce_sum3A_498 = vector.extract %reduce_sum3A_497[15] : f32 from vector<16xf32>
    %jit3A_499 = arith.constant 0.000000e+00 : f32
    %broadcast_in_dim3A_500 = vector.broadcast %jit3A_499 : f32 to vector<16xf32>
    %select_n3A_501 = arith.select %eq3A_477, %get3A_40, %broadcast_in_dim3A_500 : vector<16xi1>, vector<16xf32>
    %reduce_sum3A_502 = arith.constant true
    %reduce_sum3A_503 = vector.broadcast %reduce_sum3A_502 : i1 to vector<16xi1>
    %reduce_sum3A_504 = tpu.scan <sum>, %select_n3A_501 masked %reduce_sum3A_503 : vector<16xf32>, vector<16xi1> -> vector<16xf32>
    %reduce_sum3A_505 = vector.extract %reduce_sum3A_504[15] : f32 from vector<16xf32>
    %eq3A_506 = arith.constant 15 : i32
    %eq3A_507 = vector.broadcast %eq3A_506 : i32 to vector<16xi32>
    %eq3A_508 = arith.cmpi eq, %iota3A, %eq3A_507 : vector<16xi32>
    %jit3A_509 = arith.constant 0.000000e+00 : f32
    %broadcast_in_dim3A_510 = vector.broadcast %jit3A_509 : f32 to vector<16xf32>
    %select_n3A_511 = arith.select %eq3A_508, %get3A_34, %broadcast_in_dim3A_510 : vector<16xi1>, vector<16xf32>
    %reduce_sum3A_512 = arith.constant true
    %reduce_sum3A_513 = vector.broadcast %reduce_sum3A_512 : i1 to vector<16xi1>
    %reduce_sum3A_514 = tpu.scan <sum>, %select_n3A_511 masked %reduce_sum3A_513 : vector<16xf32>, vector<16xi1> -> vector<16xf32>
    %reduce_sum3A_515 = vector.extract %reduce_sum3A_514[15] : f32 from vector<16xf32>
    %jit3A_516 = arith.constant 0.000000e+00 : f32
    %broadcast_in_dim3A_517 = vector.broadcast %jit3A_516 : f32 to vector<16xf32>
    %select_n3A_518 = arith.select %eq3A_508, %get3A_36, %broadcast_in_dim3A_517 : vector<16xi1>, vector<16xf32>
    %reduce_sum3A_519 = arith.constant true
    %reduce_sum3A_520 = vector.broadcast %reduce_sum3A_519 : i1 to vector<16xi1>
    %reduce_sum3A_521 = tpu.scan <sum>, %select_n3A_518 masked %reduce_sum3A_520 : vector<16xf32>, vector<16xi1> -> vector<16xf32>
    %reduce_sum3A_522 = vector.extract %reduce_sum3A_521[15] : f32 from vector<16xf32>
    %jit3A_523 = arith.constant 0.000000e+00 : f32
    %broadcast_in_dim3A_524 = vector.broadcast %jit3A_523 : f32 to vector<16xf32>
    %select_n3A_525 = arith.select %eq3A_508, %get3A_38, %broadcast_in_dim3A_524 : vector<16xi1>, vector<16xf32>
    %reduce_sum3A_526 = arith.constant true
    %reduce_sum3A_527 = vector.broadcast %reduce_sum3A_526 : i1 to vector<16xi1>
    %reduce_sum3A_528 = tpu.scan <sum>, %select_n3A_525 masked %reduce_sum3A_527 : vector<16xf32>, vector<16xi1> -> vector<16xf32>
    %reduce_sum3A_529 = vector.extract %reduce_sum3A_528[15] : f32 from vector<16xf32>
    %jit3A_530 = arith.constant 0.000000e+00 : f32
    %broadcast_in_dim3A_531 = vector.broadcast %jit3A_530 : f32 to vector<16xf32>
    %select_n3A_532 = arith.select %eq3A_508, %get3A_40, %broadcast_in_dim3A_531 : vector<16xi1>, vector<16xf32>
    %reduce_sum3A_533 = arith.constant true
    %reduce_sum3A_534 = vector.broadcast %reduce_sum3A_533 : i1 to vector<16xi1>
    %reduce_sum3A_535 = tpu.scan <sum>, %select_n3A_532 masked %reduce_sum3A_534 : vector<16xf32>, vector<16xi1> -> vector<16xf32>
    %reduce_sum3A_536 = vector.extract %reduce_sum3A_535[15] : f32 from vector<16xf32>
    %gt3A = arith.constant 0 : i32
    %gt3A_537 = arith.cmpi sgt, %select_n3A_32, %gt3A : i32
    %convert_element_type3A_538 = arith.extui %gt3A_537 : i1 to i32
    %cond3A_539 = arith.constant 0 : i32
    %cond3A_540 = arith.cmpi ne, %convert_element_type3A_538, %cond3A_539 : i32
    scf.if %cond3A_540 {
      %sub3A_829 = arith.constant 1 : i32
      %sub3A_830 = arith.subi %select_n3A_32, %sub3A_829 : i32
      %mul3A_831 = arith.constant 16 : i32
      %mul3A_832 = arith.muli %sub3A_830, %mul3A_831 : i32
      %add3A_833 = vector.broadcast %mul3A_832 : i32 to vector<16xi32>
      %add3A_834 = arith.addi %iota3A, %add3A_833 : vector<16xi32>
      %lt3A_835 = vector.broadcast %convert_element_type3A_13 : i32 to vector<16xi32>
      %lt3A_836 = arith.cmpi slt, %add3A_834, %lt3A_835 : vector<16xi32>
      %mul3A_837 = arith.constant 16 : i32
      %mul3A_838 = arith.muli %sub3A_830, %mul3A_837 : i32
      %get3A_839 = arith.index_cast %mul3A_838 : i32 to index
      %get3A_840 = tpu.vector_load %arg6[%get3A_839] {strides = array<i32>} : memref<8192xf32, #tpu.memory_space<vmem>>, vector<16xf32>,
      %broadcast_in_dim3A_841 = arith.constant 9.99999998E+18 : f32
      %broadcast_in_dim3A_842 = vector.broadcast %broadcast_in_dim3A_841 : f32 to vector<16xf32>
      %select_n3A_843 = arith.select %lt3A_836, %get3A_840, %broadcast_in_dim3A_842 : vector<16xi1>, vector<16xf32>
      %mul3A_844 = arith.constant 16 : i32
      %mul3A_845 = arith.muli %sub3A_830, %mul3A_844 : i32
      %swap3A_846 = arith.index_cast %mul3A_845 : i32 to index
      %swap3A_847 = tpu.vector_load %arg6[%swap3A_846] {strides = array<i32>} : memref<8192xf32, #tpu.memory_space<vmem>>, vector<16xf32>,
      tpu.vector_store %arg6[%swap3A_846], %select_n3A_843 {strides = array<i32>} : memref<8192xf32, #tpu.memory_space<vmem>>, vector<16xf32>,
      %mul3A_848 = arith.constant 16 : i32
      %mul3A_849 = arith.muli %sub3A_830, %mul3A_848 : i32
      %add3A_850 = arith.constant 4096 : i32
      %add3A_851 = arith.addi %add3A_850, %mul3A_849 : i32
      %get3A_852 = arith.index_cast %add3A_851 : i32 to index
      %get3A_853 = tpu.vector_load %arg6[%get3A_852] {strides = array<i32>} : memref<8192xf32, #tpu.memory_space<vmem>>, vector<16xf32>,
      %broadcast_in_dim3A_854 = arith.constant 0.000000e+00 : f32
      %broadcast_in_dim3A_855 = vector.broadcast %broadcast_in_dim3A_854 : f32 to vector<16xf32>
      %select_n3A_856 = arith.select %lt3A_836, %get3A_853, %broadcast_in_dim3A_855 : vector<16xi1>, vector<16xf32>
      %mul3A_857 = arith.constant 16 : i32
      %mul3A_858 = arith.muli %sub3A_830, %mul3A_857 : i32
      %add3A_859 = arith.constant 4096 : i32
      %add3A_860 = arith.addi %add3A_859, %mul3A_858 : i32
      %swap3A_861 = arith.index_cast %add3A_860 : i32 to index
      %swap3A_862 = tpu.vector_load %arg6[%swap3A_861] {strides = array<i32>} : memref<8192xf32, #tpu.memory_space<vmem>>, vector<16xf32>,
      tpu.vector_store %arg6[%swap3A_861], %select_n3A_856 {strides = array<i32>} : memref<8192xf32, #tpu.memory_space<vmem>>, vector<16xf32>,
    } else {
    }
    %broadcast_in_dim3A_541 = arith.constant 0.000000e+00 : f32
    %broadcast_in_dim3A_542 = vector.broadcast %broadcast_in_dim3A_541 : f32 to vector<16xf32>
    %broadcast_in_dim3A_543 = arith.constant 0.000000e+00 : f32
    %broadcast_in_dim3A_544 = vector.broadcast %broadcast_in_dim3A_543 : f32 to vector<16xf32>
    %broadcast_in_dim3A_545 = arith.constant 0.000000e+00 : f32
    %broadcast_in_dim3A_546 = vector.broadcast %broadcast_in_dim3A_545 : f32 to vector<16xf32>
    %broadcast_in_dim3A_547 = arith.constant 0.000000e+00 : f32
    %broadcast_in_dim3A_548 = vector.broadcast %broadcast_in_dim3A_547 : f32 to vector<16xf32>
    %broadcast_in_dim3A_549 = arith.constant 0.000000e+00 : f32
    %broadcast_in_dim3A_550 = vector.broadcast %broadcast_in_dim3A_549 : f32 to vector<16xf32>
    %broadcast_in_dim3A_551 = arith.constant 0.000000e+00 : f32
    %broadcast_in_dim3A_552 = vector.broadcast %broadcast_in_dim3A_551 : f32 to vector<16xf32>
    %broadcast_in_dim3A_553 = arith.constant 0.000000e+00 : f32
    %broadcast_in_dim3A_554 = vector.broadcast %broadcast_in_dim3A_553 : f32 to vector<16xf32>
    %broadcast_in_dim3A_555 = arith.constant 0.000000e+00 : f32
    %broadcast_in_dim3A_556 = vector.broadcast %broadcast_in_dim3A_555 : f32 to vector<16xf32>
    %broadcast_in_dim3A_557 = arith.constant 0.000000e+00 : f32
    %broadcast_in_dim3A_558 = vector.broadcast %broadcast_in_dim3A_557 : f32 to vector<16xf32>
    %while3A = arith.constant 0 : i32
    %while3A_559 = arith.subi %select_n3A_32, %while3A : i32
    %while3A_560 = arith.addi %while3A, %while3A_559 : i32
    %while3A_561 = arith.constant 1 : i32
    %while3A_562 = arith.divsi %while3A_559, %while3A_561 : i32
    %while3A_563 = arith.muli %while3A_562, %while3A_561 : i32
    %while3A_564 = arith.addi %while3A, %while3A_563 : i32
    %while3A_565 = arith.constant 1 : i32
    %while3A_566:8 = scf.for %while3A_829 = %while3A to %while3A_564 step %while3A_565 iter_args(%while3A_830 = %broadcast_in_dim3A_544, %while3A_831 = %broadcast_in_dim3A_546, %while3A_832 = %broadcast_in_dim3A_548, %while3A_833 = %broadcast_in_dim3A_550, %while3A_834 = %broadcast_in_dim3A_552, %while3A_835 = %broadcast_in_dim3A_554, %while3A_836 = %broadcast_in_dim3A_556, %while3A_837 = %broadcast_in_dim3A_558) -> (vector<16xf32>, vector<16xf32>, vector<16xf32>, vector<16xf32>, vector<16xf32>, vector<16xf32>, vector<16xf32>, vector<16xf32>)  : i32 {
      %mul3A_838 = arith.constant 16 : i32
      %mul3A_839 = arith.muli %while3A_829, %mul3A_838 : i32
      %get3A_840 = arith.index_cast %mul3A_839 : i32 to index
      %get3A_841 = tpu.vector_load %arg6[%get3A_840] {strides = array<i32>} : memref<8192xf32, #tpu.memory_space<vmem>>, vector<16xf32>,
      %mul3A_842 = arith.constant 16 : i32
      %mul3A_843 = arith.muli %while3A_829, %mul3A_842 : i32
      %add3A_844 = arith.constant 4096 : i32
      %add3A_845 = arith.addi %add3A_844, %mul3A_843 : i32
      %get3A_846 = arith.index_cast %add3A_845 : i32 to index
      %get3A_847 = tpu.vector_load %arg6[%get3A_846] {strides = array<i32>} : memref<8192xf32, #tpu.memory_space<vmem>>, vector<16xf32>,
      %sub3A_848 = vector.broadcast %reduce_sum3A_50 : f32 to vector<16xf32>
      %sub3A_849 = arith.subf %get3A_841, %sub3A_848 : vector<16xf32>
      %sub3A_850 = vector.broadcast %reduce_sum3A_57 : f32 to vector<16xf32>
      %sub3A_851 = arith.subf %get3A_847, %sub3A_850 : vector<16xf32>
      %mul3A_852 = arith.mulf %sub3A_849, %sub3A_849 : vector<16xf32>
      %mul3A_853 = vector.broadcast %reduce_sum3A_64 : f32 to vector<16xf32>
      %mul3A_854 = arith.mulf %mul3A_853, %mul3A_852 : vector<16xf32>
      %mul3A_855 = arith.mulf %sub3A_851, %sub3A_851 : vector<16xf32>
      %mul3A_856 = vector.broadcast %reduce_sum3A_71 : f32 to vector<16xf32>
      %mul3A_857 = arith.mulf %mul3A_856, %mul3A_855 : vector<16xf32>
      %add3A_858 = arith.addf %mul3A_854, %mul3A_857 : vector<16xf32>
      %exp3A = math.exp %add3A_858 : vector<16xf32>
      %add3A_859 = arith.addf %while3A_830, %exp3A : vector<16xf32>
      %sub3A_860 = vector.broadcast %reduce_sum3A_81 : f32 to vector<16xf32>
      %sub3A_861 = arith.subf %get3A_841, %sub3A_860 : vector<16xf32>
      %sub3A_862 = vector.broadcast %reduce_sum3A_88 : f32 to vector<16xf32>
      %sub3A_863 = arith.subf %get3A_847, %sub3A_862 : vector<16xf32>
      %mul3A_864 = arith.mulf %sub3A_861, %sub3A_861 : vector<16xf32>
      %mul3A_865 = vector.broadcast %reduce_sum3A_95 : f32 to vector<16xf32>
      %mul3A_866 = arith.mulf %mul3A_865, %mul3A_864 : vector<16xf32>
      %mul3A_867 = arith.mulf %sub3A_863, %sub3A_863 : vector<16xf32>
      %mul3A_868 = vector.broadcast %reduce_sum3A_102 : f32 to vector<16xf32>
      %mul3A_869 = arith.mulf %mul3A_868, %mul3A_867 : vector<16xf32>
      %add3A_870 = arith.addf %mul3A_866, %mul3A_869 : vector<16xf32>
      %exp3A_871 = math.exp %add3A_870 : vector<16xf32>
      %add3A_872 = arith.addf %while3A_831, %exp3A_871 : vector<16xf32>
      %sub3A_873 = vector.broadcast %reduce_sum3A_112 : f32 to vector<16xf32>
      %sub3A_874 = arith.subf %get3A_841, %sub3A_873 : vector<16xf32>
      %sub3A_875 = vector.broadcast %reduce_sum3A_119 : f32 to vector<16xf32>
      %sub3A_876 = arith.subf %get3A_847, %sub3A_875 : vector<16xf32>
      %mul3A_877 = arith.mulf %sub3A_874, %sub3A_874 : vector<16xf32>
      %mul3A_878 = vector.broadcast %reduce_sum3A_126 : f32 to vector<16xf32>
      %mul3A_879 = arith.mulf %mul3A_878, %mul3A_877 : vector<16xf32>
      %mul3A_880 = arith.mulf %sub3A_876, %sub3A_876 : vector<16xf32>
      %mul3A_881 = vector.broadcast %reduce_sum3A_133 : f32 to vector<16xf32>
      %mul3A_882 = arith.mulf %mul3A_881, %mul3A_880 : vector<16xf32>
      %add3A_883 = arith.addf %mul3A_879, %mul3A_882 : vector<16xf32>
      %exp3A_884 = math.exp %add3A_883 : vector<16xf32>
      %add3A_885 = arith.addf %while3A_832, %exp3A_884 : vector<16xf32>
      %sub3A_886 = vector.broadcast %reduce_sum3A_143 : f32 to vector<16xf32>
      %sub3A_887 = arith.subf %get3A_841, %sub3A_886 : vector<16xf32>
      %sub3A_888 = vector.broadcast %reduce_sum3A_150 : f32 to vector<16xf32>
      %sub3A_889 = arith.subf %get3A_847, %sub3A_888 : vector<16xf32>
      %mul3A_890 = arith.mulf %sub3A_887, %sub3A_887 : vector<16xf32>
      %mul3A_891 = vector.broadcast %reduce_sum3A_157 : f32 to vector<16xf32>
      %mul3A_892 = arith.mulf %mul3A_891, %mul3A_890 : vector<16xf32>
      %mul3A_893 = arith.mulf %sub3A_889, %sub3A_889 : vector<16xf32>
      %mul3A_894 = vector.broadcast %reduce_sum3A_164 : f32 to vector<16xf32>
      %mul3A_895 = arith.mulf %mul3A_894, %mul3A_893 : vector<16xf32>
      %add3A_896 = arith.addf %mul3A_892, %mul3A_895 : vector<16xf32>
      %exp3A_897 = math.exp %add3A_896 : vector<16xf32>
      %add3A_898 = arith.addf %while3A_833, %exp3A_897 : vector<16xf32>
      %sub3A_899 = vector.broadcast %reduce_sum3A_174 : f32 to vector<16xf32>
      %sub3A_900 = arith.subf %get3A_841, %sub3A_899 : vector<16xf32>
      %sub3A_901 = vector.broadcast %reduce_sum3A_181 : f32 to vector<16xf32>
      %sub3A_902 = arith.subf %get3A_847, %sub3A_901 : vector<16xf32>
      %mul3A_903 = arith.mulf %sub3A_900, %sub3A_900 : vector<16xf32>
      %mul3A_904 = vector.broadcast %reduce_sum3A_188 : f32 to vector<16xf32>
      %mul3A_905 = arith.mulf %mul3A_904, %mul3A_903 : vector<16xf32>
      %mul3A_906 = arith.mulf %sub3A_902, %sub3A_902 : vector<16xf32>
      %mul3A_907 = vector.broadcast %reduce_sum3A_195 : f32 to vector<16xf32>
      %mul3A_908 = arith.mulf %mul3A_907, %mul3A_906 : vector<16xf32>
      %add3A_909 = arith.addf %mul3A_905, %mul3A_908 : vector<16xf32>
      %exp3A_910 = math.exp %add3A_909 : vector<16xf32>
      %add3A_911 = arith.addf %while3A_834, %exp3A_910 : vector<16xf32>
      %sub3A_912 = vector.broadcast %reduce_sum3A_205 : f32 to vector<16xf32>
      %sub3A_913 = arith.subf %get3A_841, %sub3A_912 : vector<16xf32>
      %sub3A_914 = vector.broadcast %reduce_sum3A_212 : f32 to vector<16xf32>
      %sub3A_915 = arith.subf %get3A_847, %sub3A_914 : vector<16xf32>
      %mul3A_916 = arith.mulf %sub3A_913, %sub3A_913 : vector<16xf32>
      %mul3A_917 = vector.broadcast %reduce_sum3A_219 : f32 to vector<16xf32>
      %mul3A_918 = arith.mulf %mul3A_917, %mul3A_916 : vector<16xf32>
      %mul3A_919 = arith.mulf %sub3A_915, %sub3A_915 : vector<16xf32>
      %mul3A_920 = vector.broadcast %reduce_sum3A_226 : f32 to vector<16xf32>
      %mul3A_921 = arith.mulf %mul3A_920, %mul3A_919 : vector<16xf32>
      %add3A_922 = arith.addf %mul3A_918, %mul3A_921 : vector<16xf32>
      %exp3A_923 = math.exp %add3A_922 : vector<16xf32>
      %add3A_924 = arith.addf %while3A_835, %exp3A_923 : vector<16xf32>
      %sub3A_925 = vector.broadcast %reduce_sum3A_236 : f32 to vector<16xf32>
      %sub3A_926 = arith.subf %get3A_841, %sub3A_925 : vector<16xf32>
      %sub3A_927 = vector.broadcast %reduce_sum3A_243 : f32 to vector<16xf32>
      %sub3A_928 = arith.subf %get3A_847, %sub3A_927 : vector<16xf32>
      %mul3A_929 = arith.mulf %sub3A_926, %sub3A_926 : vector<16xf32>
      %mul3A_930 = vector.broadcast %reduce_sum3A_250 : f32 to vector<16xf32>
      %mul3A_931 = arith.mulf %mul3A_930, %mul3A_929 : vector<16xf32>
      %mul3A_932 = arith.mulf %sub3A_928, %sub3A_928 : vector<16xf32>
      %mul3A_933 = vector.broadcast %reduce_sum3A_257 : f32 to vector<16xf32>
      %mul3A_934 = arith.mulf %mul3A_933, %mul3A_932 : vector<16xf32>
      %add3A_935 = arith.addf %mul3A_931, %mul3A_934 : vector<16xf32>
      %exp3A_936 = math.exp %add3A_935 : vector<16xf32>
      %add3A_937 = arith.addf %while3A_836, %exp3A_936 : vector<16xf32>
      %sub3A_938 = vector.broadcast %reduce_sum3A_267 : f32 to vector<16xf32>
      %sub3A_939 = arith.subf %get3A_841, %sub3A_938 : vector<16xf32>
      %sub3A_940 = vector.broadcast %reduce_sum3A_274 : f32 to vector<16xf32>
      %sub3A_941 = arith.subf %get3A_847, %sub3A_940 : vector<16xf32>
      %mul3A_942 = arith.mulf %sub3A_939, %sub3A_939 : vector<16xf32>
      %mul3A_943 = vector.broadcast %reduce_sum3A_281 : f32 to vector<16xf32>
      %mul3A_944 = arith.mulf %mul3A_943, %mul3A_942 : vector<16xf32>
      %mul3A_945 = arith.mulf %sub3A_941, %sub3A_941 : vector<16xf32>
      %mul3A_946 = vector.broadcast %reduce_sum3A_288 : f32 to vector<16xf32>
      %mul3A_947 = arith.mulf %mul3A_946, %mul3A_945 : vector<16xf32>
      %add3A_948 = arith.addf %mul3A_944, %mul3A_947 : vector<16xf32>
      %exp3A_949 = math.exp %add3A_948 : vector<16xf32>
      %add3A_950 = arith.addf %while3A_837, %exp3A_949 : vector<16xf32>
      scf.yield %add3A_859, %add3A_872, %add3A_885, %add3A_898, %add3A_911, %add3A_924, %add3A_937, %add3A_950 : vector<16xf32>, vector<16xf32>, vector<16xf32>, vector<16xf32>, vector<16xf32>, vector<16xf32>, vector<16xf32>, vector<16xf32>
    }
    %while3A_567 = arith.constant 1 : i32
    %while3A_568:8 = scf.for %while3A_829 = %while3A_564 to %while3A_560 step %while3A_567 iter_args(%while3A_830 = %while3A_566#0, %while3A_831 = %while3A_566#1, %while3A_832 = %while3A_566#2, %while3A_833 = %while3A_566#3, %while3A_834 = %while3A_566#4, %while3A_835 = %while3A_566#5, %while3A_836 = %while3A_566#6, %while3A_837 = %while3A_566#7) -> (vector<16xf32>, vector<16xf32>, vector<16xf32>, vector<16xf32>, vector<16xf32>, vector<16xf32>, vector<16xf32>, vector<16xf32>)  : i32 {
      %mul3A_838 = arith.constant 16 : i32
      %mul3A_839 = arith.muli %while3A_829, %mul3A_838 : i32
      %get3A_840 = arith.index_cast %mul3A_839 : i32 to index
      %get3A_841 = tpu.vector_load %arg6[%get3A_840] {strides = array<i32>} : memref<8192xf32, #tpu.memory_space<vmem>>, vector<16xf32>,
      %mul3A_842 = arith.constant 16 : i32
      %mul3A_843 = arith.muli %while3A_829, %mul3A_842 : i32
      %add3A_844 = arith.constant 4096 : i32
      %add3A_845 = arith.addi %add3A_844, %mul3A_843 : i32
      %get3A_846 = arith.index_cast %add3A_845 : i32 to index
      %get3A_847 = tpu.vector_load %arg6[%get3A_846] {strides = array<i32>} : memref<8192xf32, #tpu.memory_space<vmem>>, vector<16xf32>,
      %sub3A_848 = vector.broadcast %reduce_sum3A_50 : f32 to vector<16xf32>
      %sub3A_849 = arith.subf %get3A_841, %sub3A_848 : vector<16xf32>
      %sub3A_850 = vector.broadcast %reduce_sum3A_57 : f32 to vector<16xf32>
      %sub3A_851 = arith.subf %get3A_847, %sub3A_850 : vector<16xf32>
      %mul3A_852 = arith.mulf %sub3A_849, %sub3A_849 : vector<16xf32>
      %mul3A_853 = vector.broadcast %reduce_sum3A_64 : f32 to vector<16xf32>
      %mul3A_854 = arith.mulf %mul3A_853, %mul3A_852 : vector<16xf32>
      %mul3A_855 = arith.mulf %sub3A_851, %sub3A_851 : vector<16xf32>
      %mul3A_856 = vector.broadcast %reduce_sum3A_71 : f32 to vector<16xf32>
      %mul3A_857 = arith.mulf %mul3A_856, %mul3A_855 : vector<16xf32>
      %add3A_858 = arith.addf %mul3A_854, %mul3A_857 : vector<16xf32>
      %exp3A = math.exp %add3A_858 : vector<16xf32>
      %add3A_859 = arith.addf %while3A_830, %exp3A : vector<16xf32>
      %sub3A_860 = vector.broadcast %reduce_sum3A_81 : f32 to vector<16xf32>
      %sub3A_861 = arith.subf %get3A_841, %sub3A_860 : vector<16xf32>
      %sub3A_862 = vector.broadcast %reduce_sum3A_88 : f32 to vector<16xf32>
      %sub3A_863 = arith.subf %get3A_847, %sub3A_862 : vector<16xf32>
      %mul3A_864 = arith.mulf %sub3A_861, %sub3A_861 : vector<16xf32>
      %mul3A_865 = vector.broadcast %reduce_sum3A_95 : f32 to vector<16xf32>
      %mul3A_866 = arith.mulf %mul3A_865, %mul3A_864 : vector<16xf32>
      %mul3A_867 = arith.mulf %sub3A_863, %sub3A_863 : vector<16xf32>
      %mul3A_868 = vector.broadcast %reduce_sum3A_102 : f32 to vector<16xf32>
      %mul3A_869 = arith.mulf %mul3A_868, %mul3A_867 : vector<16xf32>
      %add3A_870 = arith.addf %mul3A_866, %mul3A_869 : vector<16xf32>
      %exp3A_871 = math.exp %add3A_870 : vector<16xf32>
      %add3A_872 = arith.addf %while3A_831, %exp3A_871 : vector<16xf32>
      %sub3A_873 = vector.broadcast %reduce_sum3A_112 : f32 to vector<16xf32>
      %sub3A_874 = arith.subf %get3A_841, %sub3A_873 : vector<16xf32>
      %sub3A_875 = vector.broadcast %reduce_sum3A_119 : f32 to vector<16xf32>
      %sub3A_876 = arith.subf %get3A_847, %sub3A_875 : vector<16xf32>
      %mul3A_877 = arith.mulf %sub3A_874, %sub3A_874 : vector<16xf32>
      %mul3A_878 = vector.broadcast %reduce_sum3A_126 : f32 to vector<16xf32>
      %mul3A_879 = arith.mulf %mul3A_878, %mul3A_877 : vector<16xf32>
      %mul3A_880 = arith.mulf %sub3A_876, %sub3A_876 : vector<16xf32>
      %mul3A_881 = vector.broadcast %reduce_sum3A_133 : f32 to vector<16xf32>
      %mul3A_882 = arith.mulf %mul3A_881, %mul3A_880 : vector<16xf32>
      %add3A_883 = arith.addf %mul3A_879, %mul3A_882 : vector<16xf32>
      %exp3A_884 = math.exp %add3A_883 : vector<16xf32>
      %add3A_885 = arith.addf %while3A_832, %exp3A_884 : vector<16xf32>
      %sub3A_886 = vector.broadcast %reduce_sum3A_143 : f32 to vector<16xf32>
      %sub3A_887 = arith.subf %get3A_841, %sub3A_886 : vector<16xf32>
      %sub3A_888 = vector.broadcast %reduce_sum3A_150 : f32 to vector<16xf32>
      %sub3A_889 = arith.subf %get3A_847, %sub3A_888 : vector<16xf32>
      %mul3A_890 = arith.mulf %sub3A_887, %sub3A_887 : vector<16xf32>
      %mul3A_891 = vector.broadcast %reduce_sum3A_157 : f32 to vector<16xf32>
      %mul3A_892 = arith.mulf %mul3A_891, %mul3A_890 : vector<16xf32>
      %mul3A_893 = arith.mulf %sub3A_889, %sub3A_889 : vector<16xf32>
      %mul3A_894 = vector.broadcast %reduce_sum3A_164 : f32 to vector<16xf32>
      %mul3A_895 = arith.mulf %mul3A_894, %mul3A_893 : vector<16xf32>
      %add3A_896 = arith.addf %mul3A_892, %mul3A_895 : vector<16xf32>
      %exp3A_897 = math.exp %add3A_896 : vector<16xf32>
      %add3A_898 = arith.addf %while3A_833, %exp3A_897 : vector<16xf32>
      %sub3A_899 = vector.broadcast %reduce_sum3A_174 : f32 to vector<16xf32>
      %sub3A_900 = arith.subf %get3A_841, %sub3A_899 : vector<16xf32>
      %sub3A_901 = vector.broadcast %reduce_sum3A_181 : f32 to vector<16xf32>
      %sub3A_902 = arith.subf %get3A_847, %sub3A_901 : vector<16xf32>
      %mul3A_903 = arith.mulf %sub3A_900, %sub3A_900 : vector<16xf32>
      %mul3A_904 = vector.broadcast %reduce_sum3A_188 : f32 to vector<16xf32>
      %mul3A_905 = arith.mulf %mul3A_904, %mul3A_903 : vector<16xf32>
      %mul3A_906 = arith.mulf %sub3A_902, %sub3A_902 : vector<16xf32>
      %mul3A_907 = vector.broadcast %reduce_sum3A_195 : f32 to vector<16xf32>
      %mul3A_908 = arith.mulf %mul3A_907, %mul3A_906 : vector<16xf32>
      %add3A_909 = arith.addf %mul3A_905, %mul3A_908 : vector<16xf32>
      %exp3A_910 = math.exp %add3A_909 : vector<16xf32>
      %add3A_911 = arith.addf %while3A_834, %exp3A_910 : vector<16xf32>
      %sub3A_912 = vector.broadcast %reduce_sum3A_205 : f32 to vector<16xf32>
      %sub3A_913 = arith.subf %get3A_841, %sub3A_912 : vector<16xf32>
      %sub3A_914 = vector.broadcast %reduce_sum3A_212 : f32 to vector<16xf32>
      %sub3A_915 = arith.subf %get3A_847, %sub3A_914 : vector<16xf32>
      %mul3A_916 = arith.mulf %sub3A_913, %sub3A_913 : vector<16xf32>
      %mul3A_917 = vector.broadcast %reduce_sum3A_219 : f32 to vector<16xf32>
      %mul3A_918 = arith.mulf %mul3A_917, %mul3A_916 : vector<16xf32>
      %mul3A_919 = arith.mulf %sub3A_915, %sub3A_915 : vector<16xf32>
      %mul3A_920 = vector.broadcast %reduce_sum3A_226 : f32 to vector<16xf32>
      %mul3A_921 = arith.mulf %mul3A_920, %mul3A_919 : vector<16xf32>
      %add3A_922 = arith.addf %mul3A_918, %mul3A_921 : vector<16xf32>
      %exp3A_923 = math.exp %add3A_922 : vector<16xf32>
      %add3A_924 = arith.addf %while3A_835, %exp3A_923 : vector<16xf32>
      %sub3A_925 = vector.broadcast %reduce_sum3A_236 : f32 to vector<16xf32>
      %sub3A_926 = arith.subf %get3A_841, %sub3A_925 : vector<16xf32>
      %sub3A_927 = vector.broadcast %reduce_sum3A_243 : f32 to vector<16xf32>
      %sub3A_928 = arith.subf %get3A_847, %sub3A_927 : vector<16xf32>
      %mul3A_929 = arith.mulf %sub3A_926, %sub3A_926 : vector<16xf32>
      %mul3A_930 = vector.broadcast %reduce_sum3A_250 : f32 to vector<16xf32>
      %mul3A_931 = arith.mulf %mul3A_930, %mul3A_929 : vector<16xf32>
      %mul3A_932 = arith.mulf %sub3A_928, %sub3A_928 : vector<16xf32>
      %mul3A_933 = vector.broadcast %reduce_sum3A_257 : f32 to vector<16xf32>
      %mul3A_934 = arith.mulf %mul3A_933, %mul3A_932 : vector<16xf32>
      %add3A_935 = arith.addf %mul3A_931, %mul3A_934 : vector<16xf32>
      %exp3A_936 = math.exp %add3A_935 : vector<16xf32>
      %add3A_937 = arith.addf %while3A_836, %exp3A_936 : vector<16xf32>
      %sub3A_938 = vector.broadcast %reduce_sum3A_267 : f32 to vector<16xf32>
      %sub3A_939 = arith.subf %get3A_841, %sub3A_938 : vector<16xf32>
      %sub3A_940 = vector.broadcast %reduce_sum3A_274 : f32 to vector<16xf32>
      %sub3A_941 = arith.subf %get3A_847, %sub3A_940 : vector<16xf32>
      %mul3A_942 = arith.mulf %sub3A_939, %sub3A_939 : vector<16xf32>
      %mul3A_943 = vector.broadcast %reduce_sum3A_281 : f32 to vector<16xf32>
      %mul3A_944 = arith.mulf %mul3A_943, %mul3A_942 : vector<16xf32>
      %mul3A_945 = arith.mulf %sub3A_941, %sub3A_941 : vector<16xf32>
      %mul3A_946 = vector.broadcast %reduce_sum3A_288 : f32 to vector<16xf32>
      %mul3A_947 = arith.mulf %mul3A_946, %mul3A_945 : vector<16xf32>
      %add3A_948 = arith.addf %mul3A_944, %mul3A_947 : vector<16xf32>
      %exp3A_949 = math.exp %add3A_948 : vector<16xf32>
      %add3A_950 = arith.addf %while3A_837, %exp3A_949 : vector<16xf32>
      scf.yield %add3A_859, %add3A_872, %add3A_885, %add3A_898, %add3A_911, %add3A_924, %add3A_937, %add3A_950 : vector<16xf32>, vector<16xf32>, vector<16xf32>, vector<16xf32>, vector<16xf32>, vector<16xf32>, vector<16xf32>, vector<16xf32>
    }
    %eq3A_569 = arith.constant 0 : i32
    %eq3A_570 = vector.broadcast %eq3A_569 : i32 to vector<16xi32>
    %eq3A_571 = arith.cmpi eq, %iota3A, %eq3A_570 : vector<16xi32>
    %reduce_sum3A_572 = arith.constant true
    %reduce_sum3A_573 = vector.broadcast %reduce_sum3A_572 : i1 to vector<16xi1>
    %reduce_sum3A_574 = tpu.scan <sum>, %while3A_568#0 masked %reduce_sum3A_573 : vector<16xf32>, vector<16xi1> -> vector<16xf32>
    %reduce_sum3A_575 = vector.extract %reduce_sum3A_574[15] : f32 from vector<16xf32>
    %jit3A_576 = arith.constant 0.000000e+00 : f32
    %broadcast_in_dim3A_577 = vector.broadcast %reduce_sum3A_575 : f32 to vector<16xf32>
    %broadcast_in_dim3A_578 = vector.broadcast %jit3A_576 : f32 to vector<16xf32>
    %select_n3A_579 = arith.select %eq3A_571, %broadcast_in_dim3A_577, %broadcast_in_dim3A_578 : vector<16xi1>, vector<16xf32>
    %add3A_580 = arith.addf %broadcast_in_dim3A_542, %select_n3A_579 : vector<16xf32>
    %eq3A_581 = arith.constant 1 : i32
    %eq3A_582 = vector.broadcast %eq3A_581 : i32 to vector<16xi32>
    %eq3A_583 = arith.cmpi eq, %iota3A, %eq3A_582 : vector<16xi32>
    %reduce_sum3A_584 = arith.constant true
    %reduce_sum3A_585 = vector.broadcast %reduce_sum3A_584 : i1 to vector<16xi1>
    %reduce_sum3A_586 = tpu.scan <sum>, %while3A_568#1 masked %reduce_sum3A_585 : vector<16xf32>, vector<16xi1> -> vector<16xf32>
    %reduce_sum3A_587 = vector.extract %reduce_sum3A_586[15] : f32 from vector<16xf32>
    %jit3A_588 = arith.constant 0.000000e+00 : f32
    %broadcast_in_dim3A_589 = vector.broadcast %reduce_sum3A_587 : f32 to vector<16xf32>
    %broadcast_in_dim3A_590 = vector.broadcast %jit3A_588 : f32 to vector<16xf32>
    %select_n3A_591 = arith.select %eq3A_583, %broadcast_in_dim3A_589, %broadcast_in_dim3A_590 : vector<16xi1>, vector<16xf32>
    %add3A_592 = arith.addf %add3A_580, %select_n3A_591 : vector<16xf32>
    %eq3A_593 = arith.constant 2 : i32
    %eq3A_594 = vector.broadcast %eq3A_593 : i32 to vector<16xi32>
    %eq3A_595 = arith.cmpi eq, %iota3A, %eq3A_594 : vector<16xi32>
    %reduce_sum3A_596 = arith.constant true
    %reduce_sum3A_597 = vector.broadcast %reduce_sum3A_596 : i1 to vector<16xi1>
    %reduce_sum3A_598 = tpu.scan <sum>, %while3A_568#2 masked %reduce_sum3A_597 : vector<16xf32>, vector<16xi1> -> vector<16xf32>
    %reduce_sum3A_599 = vector.extract %reduce_sum3A_598[15] : f32 from vector<16xf32>
    %jit3A_600 = arith.constant 0.000000e+00 : f32
    %broadcast_in_dim3A_601 = vector.broadcast %reduce_sum3A_599 : f32 to vector<16xf32>
    %broadcast_in_dim3A_602 = vector.broadcast %jit3A_600 : f32 to vector<16xf32>
    %select_n3A_603 = arith.select %eq3A_595, %broadcast_in_dim3A_601, %broadcast_in_dim3A_602 : vector<16xi1>, vector<16xf32>
    %add3A_604 = arith.addf %add3A_592, %select_n3A_603 : vector<16xf32>
    %eq3A_605 = arith.constant 3 : i32
    %eq3A_606 = vector.broadcast %eq3A_605 : i32 to vector<16xi32>
    %eq3A_607 = arith.cmpi eq, %iota3A, %eq3A_606 : vector<16xi32>
    %reduce_sum3A_608 = arith.constant true
    %reduce_sum3A_609 = vector.broadcast %reduce_sum3A_608 : i1 to vector<16xi1>
    %reduce_sum3A_610 = tpu.scan <sum>, %while3A_568#3 masked %reduce_sum3A_609 : vector<16xf32>, vector<16xi1> -> vector<16xf32>
    %reduce_sum3A_611 = vector.extract %reduce_sum3A_610[15] : f32 from vector<16xf32>
    %jit3A_612 = arith.constant 0.000000e+00 : f32
    %broadcast_in_dim3A_613 = vector.broadcast %reduce_sum3A_611 : f32 to vector<16xf32>
    %broadcast_in_dim3A_614 = vector.broadcast %jit3A_612 : f32 to vector<16xf32>
    %select_n3A_615 = arith.select %eq3A_607, %broadcast_in_dim3A_613, %broadcast_in_dim3A_614 : vector<16xi1>, vector<16xf32>
    %add3A_616 = arith.addf %add3A_604, %select_n3A_615 : vector<16xf32>
    %eq3A_617 = arith.constant 4 : i32
    %eq3A_618 = vector.broadcast %eq3A_617 : i32 to vector<16xi32>
    %eq3A_619 = arith.cmpi eq, %iota3A, %eq3A_618 : vector<16xi32>
    %reduce_sum3A_620 = arith.constant true
    %reduce_sum3A_621 = vector.broadcast %reduce_sum3A_620 : i1 to vector<16xi1>
    %reduce_sum3A_622 = tpu.scan <sum>, %while3A_568#4 masked %reduce_sum3A_621 : vector<16xf32>, vector<16xi1> -> vector<16xf32>
    %reduce_sum3A_623 = vector.extract %reduce_sum3A_622[15] : f32 from vector<16xf32>
    %jit3A_624 = arith.constant 0.000000e+00 : f32
    %broadcast_in_dim3A_625 = vector.broadcast %reduce_sum3A_623 : f32 to vector<16xf32>
    %broadcast_in_dim3A_626 = vector.broadcast %jit3A_624 : f32 to vector<16xf32>
    %select_n3A_627 = arith.select %eq3A_619, %broadcast_in_dim3A_625, %broadcast_in_dim3A_626 : vector<16xi1>, vector<16xf32>
    %add3A_628 = arith.addf %add3A_616, %select_n3A_627 : vector<16xf32>
    %eq3A_629 = arith.constant 5 : i32
    %eq3A_630 = vector.broadcast %eq3A_629 : i32 to vector<16xi32>
    %eq3A_631 = arith.cmpi eq, %iota3A, %eq3A_630 : vector<16xi32>
    %reduce_sum3A_632 = arith.constant true
    %reduce_sum3A_633 = vector.broadcast %reduce_sum3A_632 : i1 to vector<16xi1>
    %reduce_sum3A_634 = tpu.scan <sum>, %while3A_568#5 masked %reduce_sum3A_633 : vector<16xf32>, vector<16xi1> -> vector<16xf32>
    %reduce_sum3A_635 = vector.extract %reduce_sum3A_634[15] : f32 from vector<16xf32>
    %jit3A_636 = arith.constant 0.000000e+00 : f32
    %broadcast_in_dim3A_637 = vector.broadcast %reduce_sum3A_635 : f32 to vector<16xf32>
    %broadcast_in_dim3A_638 = vector.broadcast %jit3A_636 : f32 to vector<16xf32>
    %select_n3A_639 = arith.select %eq3A_631, %broadcast_in_dim3A_637, %broadcast_in_dim3A_638 : vector<16xi1>, vector<16xf32>
    %add3A_640 = arith.addf %add3A_628, %select_n3A_639 : vector<16xf32>
    %eq3A_641 = arith.constant 6 : i32
    %eq3A_642 = vector.broadcast %eq3A_641 : i32 to vector<16xi32>
    %eq3A_643 = arith.cmpi eq, %iota3A, %eq3A_642 : vector<16xi32>
    %reduce_sum3A_644 = arith.constant true
    %reduce_sum3A_645 = vector.broadcast %reduce_sum3A_644 : i1 to vector<16xi1>
    %reduce_sum3A_646 = tpu.scan <sum>, %while3A_568#6 masked %reduce_sum3A_645 : vector<16xf32>, vector<16xi1> -> vector<16xf32>
    %reduce_sum3A_647 = vector.extract %reduce_sum3A_646[15] : f32 from vector<16xf32>
    %jit3A_648 = arith.constant 0.000000e+00 : f32
    %broadcast_in_dim3A_649 = vector.broadcast %reduce_sum3A_647 : f32 to vector<16xf32>
    %broadcast_in_dim3A_650 = vector.broadcast %jit3A_648 : f32 to vector<16xf32>
    %select_n3A_651 = arith.select %eq3A_643, %broadcast_in_dim3A_649, %broadcast_in_dim3A_650 : vector<16xi1>, vector<16xf32>
    %add3A_652 = arith.addf %add3A_640, %select_n3A_651 : vector<16xf32>
    %eq3A_653 = arith.constant 7 : i32
    %eq3A_654 = vector.broadcast %eq3A_653 : i32 to vector<16xi32>
    %eq3A_655 = arith.cmpi eq, %iota3A, %eq3A_654 : vector<16xi32>
    %reduce_sum3A_656 = arith.constant true
    %reduce_sum3A_657 = vector.broadcast %reduce_sum3A_656 : i1 to vector<16xi1>
    %reduce_sum3A_658 = tpu.scan <sum>, %while3A_568#7 masked %reduce_sum3A_657 : vector<16xf32>, vector<16xi1> -> vector<16xf32>
    %reduce_sum3A_659 = vector.extract %reduce_sum3A_658[15] : f32 from vector<16xf32>
    %jit3A_660 = arith.constant 0.000000e+00 : f32
    %broadcast_in_dim3A_661 = vector.broadcast %reduce_sum3A_659 : f32 to vector<16xf32>
    %broadcast_in_dim3A_662 = vector.broadcast %jit3A_660 : f32 to vector<16xf32>
    %select_n3A_663 = arith.select %eq3A_655, %broadcast_in_dim3A_661, %broadcast_in_dim3A_662 : vector<16xi1>, vector<16xf32>
    %add3A_664 = arith.addf %add3A_652, %select_n3A_663 : vector<16xf32>
    %broadcast_in_dim3A_665 = arith.constant 0.000000e+00 : f32
    %broadcast_in_dim3A_666 = vector.broadcast %broadcast_in_dim3A_665 : f32 to vector<16xf32>
    %broadcast_in_dim3A_667 = arith.constant 0.000000e+00 : f32
    %broadcast_in_dim3A_668 = vector.broadcast %broadcast_in_dim3A_667 : f32 to vector<16xf32>
    %broadcast_in_dim3A_669 = arith.constant 0.000000e+00 : f32
    %broadcast_in_dim3A_670 = vector.broadcast %broadcast_in_dim3A_669 : f32 to vector<16xf32>
    %broadcast_in_dim3A_671 = arith.constant 0.000000e+00 : f32
    %broadcast_in_dim3A_672 = vector.broadcast %broadcast_in_dim3A_671 : f32 to vector<16xf32>
    %broadcast_in_dim3A_673 = arith.constant 0.000000e+00 : f32
    %broadcast_in_dim3A_674 = vector.broadcast %broadcast_in_dim3A_673 : f32 to vector<16xf32>
    %broadcast_in_dim3A_675 = arith.constant 0.000000e+00 : f32
    %broadcast_in_dim3A_676 = vector.broadcast %broadcast_in_dim3A_675 : f32 to vector<16xf32>
    %broadcast_in_dim3A_677 = arith.constant 0.000000e+00 : f32
    %broadcast_in_dim3A_678 = vector.broadcast %broadcast_in_dim3A_677 : f32 to vector<16xf32>
    %broadcast_in_dim3A_679 = arith.constant 0.000000e+00 : f32
    %broadcast_in_dim3A_680 = vector.broadcast %broadcast_in_dim3A_679 : f32 to vector<16xf32>
    %while3A_681 = arith.constant 0 : i32
    %while3A_682 = arith.subi %select_n3A_32, %while3A_681 : i32
    %while3A_683 = arith.addi %while3A_681, %while3A_682 : i32
    %while3A_684 = arith.constant 1 : i32
    %while3A_685 = arith.divsi %while3A_682, %while3A_684 : i32
    %while3A_686 = arith.muli %while3A_685, %while3A_684 : i32
    %while3A_687 = arith.addi %while3A_681, %while3A_686 : i32
    %while3A_688 = arith.constant 1 : i32
    %while3A_689:8 = scf.for %while3A_829 = %while3A_681 to %while3A_687 step %while3A_688 iter_args(%while3A_830 = %broadcast_in_dim3A_666, %while3A_831 = %broadcast_in_dim3A_668, %while3A_832 = %broadcast_in_dim3A_670, %while3A_833 = %broadcast_in_dim3A_672, %while3A_834 = %broadcast_in_dim3A_674, %while3A_835 = %broadcast_in_dim3A_676, %while3A_836 = %broadcast_in_dim3A_678, %while3A_837 = %broadcast_in_dim3A_680) -> (vector<16xf32>, vector<16xf32>, vector<16xf32>, vector<16xf32>, vector<16xf32>, vector<16xf32>, vector<16xf32>, vector<16xf32>)  : i32 {
      %mul3A_838 = arith.constant 16 : i32
      %mul3A_839 = arith.muli %while3A_829, %mul3A_838 : i32
      %get3A_840 = arith.index_cast %mul3A_839 : i32 to index
      %get3A_841 = tpu.vector_load %arg6[%get3A_840] {strides = array<i32>} : memref<8192xf32, #tpu.memory_space<vmem>>, vector<16xf32>,
      %mul3A_842 = arith.constant 16 : i32
      %mul3A_843 = arith.muli %while3A_829, %mul3A_842 : i32
      %add3A_844 = arith.constant 4096 : i32
      %add3A_845 = arith.addi %add3A_844, %mul3A_843 : i32
      %get3A_846 = arith.index_cast %add3A_845 : i32 to index
      %get3A_847 = tpu.vector_load %arg6[%get3A_846] {strides = array<i32>} : memref<8192xf32, #tpu.memory_space<vmem>>, vector<16xf32>,
      %sub3A_848 = vector.broadcast %reduce_sum3A_298 : f32 to vector<16xf32>
      %sub3A_849 = arith.subf %get3A_841, %sub3A_848 : vector<16xf32>
      %sub3A_850 = vector.broadcast %reduce_sum3A_305 : f32 to vector<16xf32>
      %sub3A_851 = arith.subf %get3A_847, %sub3A_850 : vector<16xf32>
      %mul3A_852 = arith.mulf %sub3A_849, %sub3A_849 : vector<16xf32>
      %mul3A_853 = vector.broadcast %reduce_sum3A_312 : f32 to vector<16xf32>
      %mul3A_854 = arith.mulf %mul3A_853, %mul3A_852 : vector<16xf32>
      %mul3A_855 = arith.mulf %sub3A_851, %sub3A_851 : vector<16xf32>
      %mul3A_856 = vector.broadcast %reduce_sum3A_319 : f32 to vector<16xf32>
      %mul3A_857 = arith.mulf %mul3A_856, %mul3A_855 : vector<16xf32>
      %add3A_858 = arith.addf %mul3A_854, %mul3A_857 : vector<16xf32>
      %exp3A = math.exp %add3A_858 : vector<16xf32>
      %add3A_859 = arith.addf %while3A_830, %exp3A : vector<16xf32>
      %sub3A_860 = vector.broadcast %reduce_sum3A_329 : f32 to vector<16xf32>
      %sub3A_861 = arith.subf %get3A_841, %sub3A_860 : vector<16xf32>
      %sub3A_862 = vector.broadcast %reduce_sum3A_336 : f32 to vector<16xf32>
      %sub3A_863 = arith.subf %get3A_847, %sub3A_862 : vector<16xf32>
      %mul3A_864 = arith.mulf %sub3A_861, %sub3A_861 : vector<16xf32>
      %mul3A_865 = vector.broadcast %reduce_sum3A_343 : f32 to vector<16xf32>
      %mul3A_866 = arith.mulf %mul3A_865, %mul3A_864 : vector<16xf32>
      %mul3A_867 = arith.mulf %sub3A_863, %sub3A_863 : vector<16xf32>
      %mul3A_868 = vector.broadcast %reduce_sum3A_350 : f32 to vector<16xf32>
      %mul3A_869 = arith.mulf %mul3A_868, %mul3A_867 : vector<16xf32>
      %add3A_870 = arith.addf %mul3A_866, %mul3A_869 : vector<16xf32>
      %exp3A_871 = math.exp %add3A_870 : vector<16xf32>
      %add3A_872 = arith.addf %while3A_831, %exp3A_871 : vector<16xf32>
      %sub3A_873 = vector.broadcast %reduce_sum3A_360 : f32 to vector<16xf32>
      %sub3A_874 = arith.subf %get3A_841, %sub3A_873 : vector<16xf32>
      %sub3A_875 = vector.broadcast %reduce_sum3A_367 : f32 to vector<16xf32>
      %sub3A_876 = arith.subf %get3A_847, %sub3A_875 : vector<16xf32>
      %mul3A_877 = arith.mulf %sub3A_874, %sub3A_874 : vector<16xf32>
      %mul3A_878 = vector.broadcast %reduce_sum3A_374 : f32 to vector<16xf32>
      %mul3A_879 = arith.mulf %mul3A_878, %mul3A_877 : vector<16xf32>
      %mul3A_880 = arith.mulf %sub3A_876, %sub3A_876 : vector<16xf32>
      %mul3A_881 = vector.broadcast %reduce_sum3A_381 : f32 to vector<16xf32>
      %mul3A_882 = arith.mulf %mul3A_881, %mul3A_880 : vector<16xf32>
      %add3A_883 = arith.addf %mul3A_879, %mul3A_882 : vector<16xf32>
      %exp3A_884 = math.exp %add3A_883 : vector<16xf32>
      %add3A_885 = arith.addf %while3A_832, %exp3A_884 : vector<16xf32>
      %sub3A_886 = vector.broadcast %reduce_sum3A_391 : f32 to vector<16xf32>
      %sub3A_887 = arith.subf %get3A_841, %sub3A_886 : vector<16xf32>
      %sub3A_888 = vector.broadcast %reduce_sum3A_398 : f32 to vector<16xf32>
      %sub3A_889 = arith.subf %get3A_847, %sub3A_888 : vector<16xf32>
      %mul3A_890 = arith.mulf %sub3A_887, %sub3A_887 : vector<16xf32>
      %mul3A_891 = vector.broadcast %reduce_sum3A_405 : f32 to vector<16xf32>
      %mul3A_892 = arith.mulf %mul3A_891, %mul3A_890 : vector<16xf32>
      %mul3A_893 = arith.mulf %sub3A_889, %sub3A_889 : vector<16xf32>
      %mul3A_894 = vector.broadcast %reduce_sum3A_412 : f32 to vector<16xf32>
      %mul3A_895 = arith.mulf %mul3A_894, %mul3A_893 : vector<16xf32>
      %add3A_896 = arith.addf %mul3A_892, %mul3A_895 : vector<16xf32>
      %exp3A_897 = math.exp %add3A_896 : vector<16xf32>
      %add3A_898 = arith.addf %while3A_833, %exp3A_897 : vector<16xf32>
      %sub3A_899 = vector.broadcast %reduce_sum3A_422 : f32 to vector<16xf32>
      %sub3A_900 = arith.subf %get3A_841, %sub3A_899 : vector<16xf32>
      %sub3A_901 = vector.broadcast %reduce_sum3A_429 : f32 to vector<16xf32>
      %sub3A_902 = arith.subf %get3A_847, %sub3A_901 : vector<16xf32>
      %mul3A_903 = arith.mulf %sub3A_900, %sub3A_900 : vector<16xf32>
      %mul3A_904 = vector.broadcast %reduce_sum3A_436 : f32 to vector<16xf32>
      %mul3A_905 = arith.mulf %mul3A_904, %mul3A_903 : vector<16xf32>
      %mul3A_906 = arith.mulf %sub3A_902, %sub3A_902 : vector<16xf32>
      %mul3A_907 = vector.broadcast %reduce_sum3A_443 : f32 to vector<16xf32>
      %mul3A_908 = arith.mulf %mul3A_907, %mul3A_906 : vector<16xf32>
      %add3A_909 = arith.addf %mul3A_905, %mul3A_908 : vector<16xf32>
      %exp3A_910 = math.exp %add3A_909 : vector<16xf32>
      %add3A_911 = arith.addf %while3A_834, %exp3A_910 : vector<16xf32>
      %sub3A_912 = vector.broadcast %reduce_sum3A_453 : f32 to vector<16xf32>
      %sub3A_913 = arith.subf %get3A_841, %sub3A_912 : vector<16xf32>
      %sub3A_914 = vector.broadcast %reduce_sum3A_460 : f32 to vector<16xf32>
      %sub3A_915 = arith.subf %get3A_847, %sub3A_914 : vector<16xf32>
      %mul3A_916 = arith.mulf %sub3A_913, %sub3A_913 : vector<16xf32>
      %mul3A_917 = vector.broadcast %reduce_sum3A_467 : f32 to vector<16xf32>
      %mul3A_918 = arith.mulf %mul3A_917, %mul3A_916 : vector<16xf32>
      %mul3A_919 = arith.mulf %sub3A_915, %sub3A_915 : vector<16xf32>
      %mul3A_920 = vector.broadcast %reduce_sum3A_474 : f32 to vector<16xf32>
      %mul3A_921 = arith.mulf %mul3A_920, %mul3A_919 : vector<16xf32>
      %add3A_922 = arith.addf %mul3A_918, %mul3A_921 : vector<16xf32>
      %exp3A_923 = math.exp %add3A_922 : vector<16xf32>
      %add3A_924 = arith.addf %while3A_835, %exp3A_923 : vector<16xf32>
      %sub3A_925 = vector.broadcast %reduce_sum3A_484 : f32 to vector<16xf32>
      %sub3A_926 = arith.subf %get3A_841, %sub3A_925 : vector<16xf32>
      %sub3A_927 = vector.broadcast %reduce_sum3A_491 : f32 to vector<16xf32>
      %sub3A_928 = arith.subf %get3A_847, %sub3A_927 : vector<16xf32>
      %mul3A_929 = arith.mulf %sub3A_926, %sub3A_926 : vector<16xf32>
      %mul3A_930 = vector.broadcast %reduce_sum3A_498 : f32 to vector<16xf32>
      %mul3A_931 = arith.mulf %mul3A_930, %mul3A_929 : vector<16xf32>
      %mul3A_932 = arith.mulf %sub3A_928, %sub3A_928 : vector<16xf32>
      %mul3A_933 = vector.broadcast %reduce_sum3A_505 : f32 to vector<16xf32>
      %mul3A_934 = arith.mulf %mul3A_933, %mul3A_932 : vector<16xf32>
      %add3A_935 = arith.addf %mul3A_931, %mul3A_934 : vector<16xf32>
      %exp3A_936 = math.exp %add3A_935 : vector<16xf32>
      %add3A_937 = arith.addf %while3A_836, %exp3A_936 : vector<16xf32>
      %sub3A_938 = vector.broadcast %reduce_sum3A_515 : f32 to vector<16xf32>
      %sub3A_939 = arith.subf %get3A_841, %sub3A_938 : vector<16xf32>
      %sub3A_940 = vector.broadcast %reduce_sum3A_522 : f32 to vector<16xf32>
      %sub3A_941 = arith.subf %get3A_847, %sub3A_940 : vector<16xf32>
      %mul3A_942 = arith.mulf %sub3A_939, %sub3A_939 : vector<16xf32>
      %mul3A_943 = vector.broadcast %reduce_sum3A_529 : f32 to vector<16xf32>
      %mul3A_944 = arith.mulf %mul3A_943, %mul3A_942 : vector<16xf32>
      %mul3A_945 = arith.mulf %sub3A_941, %sub3A_941 : vector<16xf32>
      %mul3A_946 = vector.broadcast %reduce_sum3A_536 : f32 to vector<16xf32>
      %mul3A_947 = arith.mulf %mul3A_946, %mul3A_945 : vector<16xf32>
      %add3A_948 = arith.addf %mul3A_944, %mul3A_947 : vector<16xf32>
      %exp3A_949 = math.exp %add3A_948 : vector<16xf32>
      %add3A_950 = arith.addf %while3A_837, %exp3A_949 : vector<16xf32>
      scf.yield %add3A_859, %add3A_872, %add3A_885, %add3A_898, %add3A_911, %add3A_924, %add3A_937, %add3A_950 : vector<16xf32>, vector<16xf32>, vector<16xf32>, vector<16xf32>, vector<16xf32>, vector<16xf32>, vector<16xf32>, vector<16xf32>
    }
    %while3A_690 = arith.constant 1 : i32
    %while3A_691:8 = scf.for %while3A_829 = %while3A_687 to %while3A_683 step %while3A_690 iter_args(%while3A_830 = %while3A_689#0, %while3A_831 = %while3A_689#1, %while3A_832 = %while3A_689#2, %while3A_833 = %while3A_689#3, %while3A_834 = %while3A_689#4, %while3A_835 = %while3A_689#5, %while3A_836 = %while3A_689#6, %while3A_837 = %while3A_689#7) -> (vector<16xf32>, vector<16xf32>, vector<16xf32>, vector<16xf32>, vector<16xf32>, vector<16xf32>, vector<16xf32>, vector<16xf32>)  : i32 {
      %mul3A_838 = arith.constant 16 : i32
      %mul3A_839 = arith.muli %while3A_829, %mul3A_838 : i32
      %get3A_840 = arith.index_cast %mul3A_839 : i32 to index
      %get3A_841 = tpu.vector_load %arg6[%get3A_840] {strides = array<i32>} : memref<8192xf32, #tpu.memory_space<vmem>>, vector<16xf32>,
      %mul3A_842 = arith.constant 16 : i32
      %mul3A_843 = arith.muli %while3A_829, %mul3A_842 : i32
      %add3A_844 = arith.constant 4096 : i32
      %add3A_845 = arith.addi %add3A_844, %mul3A_843 : i32
      %get3A_846 = arith.index_cast %add3A_845 : i32 to index
      %get3A_847 = tpu.vector_load %arg6[%get3A_846] {strides = array<i32>} : memref<8192xf32, #tpu.memory_space<vmem>>, vector<16xf32>,
      %sub3A_848 = vector.broadcast %reduce_sum3A_298 : f32 to vector<16xf32>
      %sub3A_849 = arith.subf %get3A_841, %sub3A_848 : vector<16xf32>
      %sub3A_850 = vector.broadcast %reduce_sum3A_305 : f32 to vector<16xf32>
      %sub3A_851 = arith.subf %get3A_847, %sub3A_850 : vector<16xf32>
      %mul3A_852 = arith.mulf %sub3A_849, %sub3A_849 : vector<16xf32>
      %mul3A_853 = vector.broadcast %reduce_sum3A_312 : f32 to vector<16xf32>
      %mul3A_854 = arith.mulf %mul3A_853, %mul3A_852 : vector<16xf32>
      %mul3A_855 = arith.mulf %sub3A_851, %sub3A_851 : vector<16xf32>
      %mul3A_856 = vector.broadcast %reduce_sum3A_319 : f32 to vector<16xf32>
      %mul3A_857 = arith.mulf %mul3A_856, %mul3A_855 : vector<16xf32>
      %add3A_858 = arith.addf %mul3A_854, %mul3A_857 : vector<16xf32>
      %exp3A = math.exp %add3A_858 : vector<16xf32>
      %add3A_859 = arith.addf %while3A_830, %exp3A : vector<16xf32>
      %sub3A_860 = vector.broadcast %reduce_sum3A_329 : f32 to vector<16xf32>
      %sub3A_861 = arith.subf %get3A_841, %sub3A_860 : vector<16xf32>
      %sub3A_862 = vector.broadcast %reduce_sum3A_336 : f32 to vector<16xf32>
      %sub3A_863 = arith.subf %get3A_847, %sub3A_862 : vector<16xf32>
      %mul3A_864 = arith.mulf %sub3A_861, %sub3A_861 : vector<16xf32>
      %mul3A_865 = vector.broadcast %reduce_sum3A_343 : f32 to vector<16xf32>
      %mul3A_866 = arith.mulf %mul3A_865, %mul3A_864 : vector<16xf32>
      %mul3A_867 = arith.mulf %sub3A_863, %sub3A_863 : vector<16xf32>
      %mul3A_868 = vector.broadcast %reduce_sum3A_350 : f32 to vector<16xf32>
      %mul3A_869 = arith.mulf %mul3A_868, %mul3A_867 : vector<16xf32>
      %add3A_870 = arith.addf %mul3A_866, %mul3A_869 : vector<16xf32>
      %exp3A_871 = math.exp %add3A_870 : vector<16xf32>
      %add3A_872 = arith.addf %while3A_831, %exp3A_871 : vector<16xf32>
      %sub3A_873 = vector.broadcast %reduce_sum3A_360 : f32 to vector<16xf32>
      %sub3A_874 = arith.subf %get3A_841, %sub3A_873 : vector<16xf32>
      %sub3A_875 = vector.broadcast %reduce_sum3A_367 : f32 to vector<16xf32>
      %sub3A_876 = arith.subf %get3A_847, %sub3A_875 : vector<16xf32>
      %mul3A_877 = arith.mulf %sub3A_874, %sub3A_874 : vector<16xf32>
      %mul3A_878 = vector.broadcast %reduce_sum3A_374 : f32 to vector<16xf32>
      %mul3A_879 = arith.mulf %mul3A_878, %mul3A_877 : vector<16xf32>
      %mul3A_880 = arith.mulf %sub3A_876, %sub3A_876 : vector<16xf32>
      %mul3A_881 = vector.broadcast %reduce_sum3A_381 : f32 to vector<16xf32>
      %mul3A_882 = arith.mulf %mul3A_881, %mul3A_880 : vector<16xf32>
      %add3A_883 = arith.addf %mul3A_879, %mul3A_882 : vector<16xf32>
      %exp3A_884 = math.exp %add3A_883 : vector<16xf32>
      %add3A_885 = arith.addf %while3A_832, %exp3A_884 : vector<16xf32>
      %sub3A_886 = vector.broadcast %reduce_sum3A_391 : f32 to vector<16xf32>
      %sub3A_887 = arith.subf %get3A_841, %sub3A_886 : vector<16xf32>
      %sub3A_888 = vector.broadcast %reduce_sum3A_398 : f32 to vector<16xf32>
      %sub3A_889 = arith.subf %get3A_847, %sub3A_888 : vector<16xf32>
      %mul3A_890 = arith.mulf %sub3A_887, %sub3A_887 : vector<16xf32>
      %mul3A_891 = vector.broadcast %reduce_sum3A_405 : f32 to vector<16xf32>
      %mul3A_892 = arith.mulf %mul3A_891, %mul3A_890 : vector<16xf32>
      %mul3A_893 = arith.mulf %sub3A_889, %sub3A_889 : vector<16xf32>
      %mul3A_894 = vector.broadcast %reduce_sum3A_412 : f32 to vector<16xf32>
      %mul3A_895 = arith.mulf %mul3A_894, %mul3A_893 : vector<16xf32>
      %add3A_896 = arith.addf %mul3A_892, %mul3A_895 : vector<16xf32>
      %exp3A_897 = math.exp %add3A_896 : vector<16xf32>
      %add3A_898 = arith.addf %while3A_833, %exp3A_897 : vector<16xf32>
      %sub3A_899 = vector.broadcast %reduce_sum3A_422 : f32 to vector<16xf32>
      %sub3A_900 = arith.subf %get3A_841, %sub3A_899 : vector<16xf32>
      %sub3A_901 = vector.broadcast %reduce_sum3A_429 : f32 to vector<16xf32>
      %sub3A_902 = arith.subf %get3A_847, %sub3A_901 : vector<16xf32>
      %mul3A_903 = arith.mulf %sub3A_900, %sub3A_900 : vector<16xf32>
      %mul3A_904 = vector.broadcast %reduce_sum3A_436 : f32 to vector<16xf32>
      %mul3A_905 = arith.mulf %mul3A_904, %mul3A_903 : vector<16xf32>
      %mul3A_906 = arith.mulf %sub3A_902, %sub3A_902 : vector<16xf32>
      %mul3A_907 = vector.broadcast %reduce_sum3A_443 : f32 to vector<16xf32>
      %mul3A_908 = arith.mulf %mul3A_907, %mul3A_906 : vector<16xf32>
      %add3A_909 = arith.addf %mul3A_905, %mul3A_908 : vector<16xf32>
      %exp3A_910 = math.exp %add3A_909 : vector<16xf32>
      %add3A_911 = arith.addf %while3A_834, %exp3A_910 : vector<16xf32>
      %sub3A_912 = vector.broadcast %reduce_sum3A_453 : f32 to vector<16xf32>
      %sub3A_913 = arith.subf %get3A_841, %sub3A_912 : vector<16xf32>
      %sub3A_914 = vector.broadcast %reduce_sum3A_460 : f32 to vector<16xf32>
      %sub3A_915 = arith.subf %get3A_847, %sub3A_914 : vector<16xf32>
      %mul3A_916 = arith.mulf %sub3A_913, %sub3A_913 : vector<16xf32>
      %mul3A_917 = vector.broadcast %reduce_sum3A_467 : f32 to vector<16xf32>
      %mul3A_918 = arith.mulf %mul3A_917, %mul3A_916 : vector<16xf32>
      %mul3A_919 = arith.mulf %sub3A_915, %sub3A_915 : vector<16xf32>
      %mul3A_920 = vector.broadcast %reduce_sum3A_474 : f32 to vector<16xf32>
      %mul3A_921 = arith.mulf %mul3A_920, %mul3A_919 : vector<16xf32>
      %add3A_922 = arith.addf %mul3A_918, %mul3A_921 : vector<16xf32>
      %exp3A_923 = math.exp %add3A_922 : vector<16xf32>
      %add3A_924 = arith.addf %while3A_835, %exp3A_923 : vector<16xf32>
      %sub3A_925 = vector.broadcast %reduce_sum3A_484 : f32 to vector<16xf32>
      %sub3A_926 = arith.subf %get3A_841, %sub3A_925 : vector<16xf32>
      %sub3A_927 = vector.broadcast %reduce_sum3A_491 : f32 to vector<16xf32>
      %sub3A_928 = arith.subf %get3A_847, %sub3A_927 : vector<16xf32>
      %mul3A_929 = arith.mulf %sub3A_926, %sub3A_926 : vector<16xf32>
      %mul3A_930 = vector.broadcast %reduce_sum3A_498 : f32 to vector<16xf32>
      %mul3A_931 = arith.mulf %mul3A_930, %mul3A_929 : vector<16xf32>
      %mul3A_932 = arith.mulf %sub3A_928, %sub3A_928 : vector<16xf32>
      %mul3A_933 = vector.broadcast %reduce_sum3A_505 : f32 to vector<16xf32>
      %mul3A_934 = arith.mulf %mul3A_933, %mul3A_932 : vector<16xf32>
      %add3A_935 = arith.addf %mul3A_931, %mul3A_934 : vector<16xf32>
      %exp3A_936 = math.exp %add3A_935 : vector<16xf32>
      %add3A_937 = arith.addf %while3A_836, %exp3A_936 : vector<16xf32>
      %sub3A_938 = vector.broadcast %reduce_sum3A_515 : f32 to vector<16xf32>
      %sub3A_939 = arith.subf %get3A_841, %sub3A_938 : vector<16xf32>
      %sub3A_940 = vector.broadcast %reduce_sum3A_522 : f32 to vector<16xf32>
      %sub3A_941 = arith.subf %get3A_847, %sub3A_940 : vector<16xf32>
      %mul3A_942 = arith.mulf %sub3A_939, %sub3A_939 : vector<16xf32>
      %mul3A_943 = vector.broadcast %reduce_sum3A_529 : f32 to vector<16xf32>
      %mul3A_944 = arith.mulf %mul3A_943, %mul3A_942 : vector<16xf32>
      %mul3A_945 = arith.mulf %sub3A_941, %sub3A_941 : vector<16xf32>
      %mul3A_946 = vector.broadcast %reduce_sum3A_536 : f32 to vector<16xf32>
      %mul3A_947 = arith.mulf %mul3A_946, %mul3A_945 : vector<16xf32>
      %add3A_948 = arith.addf %mul3A_944, %mul3A_947 : vector<16xf32>
      %exp3A_949 = math.exp %add3A_948 : vector<16xf32>
      %add3A_950 = arith.addf %while3A_837, %exp3A_949 : vector<16xf32>
      scf.yield %add3A_859, %add3A_872, %add3A_885, %add3A_898, %add3A_911, %add3A_924, %add3A_937, %add3A_950 : vector<16xf32>, vector<16xf32>, vector<16xf32>, vector<16xf32>, vector<16xf32>, vector<16xf32>, vector<16xf32>, vector<16xf32>
    }
    %eq3A_692 = arith.constant 8 : i32
    %eq3A_693 = vector.broadcast %eq3A_692 : i32 to vector<16xi32>
    %eq3A_694 = arith.cmpi eq, %iota3A, %eq3A_693 : vector<16xi32>
    %reduce_sum3A_695 = arith.constant true
    %reduce_sum3A_696 = vector.broadcast %reduce_sum3A_695 : i1 to vector<16xi1>
    %reduce_sum3A_697 = tpu.scan <sum>, %while3A_691#0 masked %reduce_sum3A_696 : vector<16xf32>, vector<16xi1> -> vector<16xf32>
    %reduce_sum3A_698 = vector.extract %reduce_sum3A_697[15] : f32 from vector<16xf32>
    %jit3A_699 = arith.constant 0.000000e+00 : f32
    %broadcast_in_dim3A_700 = vector.broadcast %reduce_sum3A_698 : f32 to vector<16xf32>
    %broadcast_in_dim3A_701 = vector.broadcast %jit3A_699 : f32 to vector<16xf32>
    %select_n3A_702 = arith.select %eq3A_694, %broadcast_in_dim3A_700, %broadcast_in_dim3A_701 : vector<16xi1>, vector<16xf32>
    %add3A_703 = arith.addf %add3A_664, %select_n3A_702 : vector<16xf32>
    %eq3A_704 = arith.constant 9 : i32
    %eq3A_705 = vector.broadcast %eq3A_704 : i32 to vector<16xi32>
    %eq3A_706 = arith.cmpi eq, %iota3A, %eq3A_705 : vector<16xi32>
    %reduce_sum3A_707 = arith.constant true
    %reduce_sum3A_708 = vector.broadcast %reduce_sum3A_707 : i1 to vector<16xi1>
    %reduce_sum3A_709 = tpu.scan <sum>, %while3A_691#1 masked %reduce_sum3A_708 : vector<16xf32>, vector<16xi1> -> vector<16xf32>
    %reduce_sum3A_710 = vector.extract %reduce_sum3A_709[15] : f32 from vector<16xf32>
    %jit3A_711 = arith.constant 0.000000e+00 : f32
    %broadcast_in_dim3A_712 = vector.broadcast %reduce_sum3A_710 : f32 to vector<16xf32>
    %broadcast_in_dim3A_713 = vector.broadcast %jit3A_711 : f32 to vector<16xf32>
    %select_n3A_714 = arith.select %eq3A_706, %broadcast_in_dim3A_712, %broadcast_in_dim3A_713 : vector<16xi1>, vector<16xf32>
    %add3A_715 = arith.addf %add3A_703, %select_n3A_714 : vector<16xf32>
    %eq3A_716 = arith.constant 10 : i32
    %eq3A_717 = vector.broadcast %eq3A_716 : i32 to vector<16xi32>
    %eq3A_718 = arith.cmpi eq, %iota3A, %eq3A_717 : vector<16xi32>
    %reduce_sum3A_719 = arith.constant true
    %reduce_sum3A_720 = vector.broadcast %reduce_sum3A_719 : i1 to vector<16xi1>
    %reduce_sum3A_721 = tpu.scan <sum>, %while3A_691#2 masked %reduce_sum3A_720 : vector<16xf32>, vector<16xi1> -> vector<16xf32>
    %reduce_sum3A_722 = vector.extract %reduce_sum3A_721[15] : f32 from vector<16xf32>
    %jit3A_723 = arith.constant 0.000000e+00 : f32
    %broadcast_in_dim3A_724 = vector.broadcast %reduce_sum3A_722 : f32 to vector<16xf32>
    %broadcast_in_dim3A_725 = vector.broadcast %jit3A_723 : f32 to vector<16xf32>
    %select_n3A_726 = arith.select %eq3A_718, %broadcast_in_dim3A_724, %broadcast_in_dim3A_725 : vector<16xi1>, vector<16xf32>
    %add3A_727 = arith.addf %add3A_715, %select_n3A_726 : vector<16xf32>
    %eq3A_728 = arith.constant 11 : i32
    %eq3A_729 = vector.broadcast %eq3A_728 : i32 to vector<16xi32>
    %eq3A_730 = arith.cmpi eq, %iota3A, %eq3A_729 : vector<16xi32>
    %reduce_sum3A_731 = arith.constant true
    %reduce_sum3A_732 = vector.broadcast %reduce_sum3A_731 : i1 to vector<16xi1>
    %reduce_sum3A_733 = tpu.scan <sum>, %while3A_691#3 masked %reduce_sum3A_732 : vector<16xf32>, vector<16xi1> -> vector<16xf32>
    %reduce_sum3A_734 = vector.extract %reduce_sum3A_733[15] : f32 from vector<16xf32>
    %jit3A_735 = arith.constant 0.000000e+00 : f32
    %broadcast_in_dim3A_736 = vector.broadcast %reduce_sum3A_734 : f32 to vector<16xf32>
    %broadcast_in_dim3A_737 = vector.broadcast %jit3A_735 : f32 to vector<16xf32>
    %select_n3A_738 = arith.select %eq3A_730, %broadcast_in_dim3A_736, %broadcast_in_dim3A_737 : vector<16xi1>, vector<16xf32>
    %add3A_739 = arith.addf %add3A_727, %select_n3A_738 : vector<16xf32>
    %eq3A_740 = arith.constant 12 : i32
    %eq3A_741 = vector.broadcast %eq3A_740 : i32 to vector<16xi32>
    %eq3A_742 = arith.cmpi eq, %iota3A, %eq3A_741 : vector<16xi32>
    %reduce_sum3A_743 = arith.constant true
    %reduce_sum3A_744 = vector.broadcast %reduce_sum3A_743 : i1 to vector<16xi1>
    %reduce_sum3A_745 = tpu.scan <sum>, %while3A_691#4 masked %reduce_sum3A_744 : vector<16xf32>, vector<16xi1> -> vector<16xf32>
    %reduce_sum3A_746 = vector.extract %reduce_sum3A_745[15] : f32 from vector<16xf32>
    %jit3A_747 = arith.constant 0.000000e+00 : f32
    %broadcast_in_dim3A_748 = vector.broadcast %reduce_sum3A_746 : f32 to vector<16xf32>
    %broadcast_in_dim3A_749 = vector.broadcast %jit3A_747 : f32 to vector<16xf32>
    %select_n3A_750 = arith.select %eq3A_742, %broadcast_in_dim3A_748, %broadcast_in_dim3A_749 : vector<16xi1>, vector<16xf32>
    %add3A_751 = arith.addf %add3A_739, %select_n3A_750 : vector<16xf32>
    %eq3A_752 = arith.constant 13 : i32
    %eq3A_753 = vector.broadcast %eq3A_752 : i32 to vector<16xi32>
    %eq3A_754 = arith.cmpi eq, %iota3A, %eq3A_753 : vector<16xi32>
    %reduce_sum3A_755 = arith.constant true
    %reduce_sum3A_756 = vector.broadcast %reduce_sum3A_755 : i1 to vector<16xi1>
    %reduce_sum3A_757 = tpu.scan <sum>, %while3A_691#5 masked %reduce_sum3A_756 : vector<16xf32>, vector<16xi1> -> vector<16xf32>
    %reduce_sum3A_758 = vector.extract %reduce_sum3A_757[15] : f32 from vector<16xf32>
    %jit3A_759 = arith.constant 0.000000e+00 : f32
    %broadcast_in_dim3A_760 = vector.broadcast %reduce_sum3A_758 : f32 to vector<16xf32>
    %broadcast_in_dim3A_761 = vector.broadcast %jit3A_759 : f32 to vector<16xf32>
    %select_n3A_762 = arith.select %eq3A_754, %broadcast_in_dim3A_760, %broadcast_in_dim3A_761 : vector<16xi1>, vector<16xf32>
    %add3A_763 = arith.addf %add3A_751, %select_n3A_762 : vector<16xf32>
    %eq3A_764 = arith.constant 14 : i32
    %eq3A_765 = vector.broadcast %eq3A_764 : i32 to vector<16xi32>
    %eq3A_766 = arith.cmpi eq, %iota3A, %eq3A_765 : vector<16xi32>
    %reduce_sum3A_767 = arith.constant true
    %reduce_sum3A_768 = vector.broadcast %reduce_sum3A_767 : i1 to vector<16xi1>
    %reduce_sum3A_769 = tpu.scan <sum>, %while3A_691#6 masked %reduce_sum3A_768 : vector<16xf32>, vector<16xi1> -> vector<16xf32>
    %reduce_sum3A_770 = vector.extract %reduce_sum3A_769[15] : f32 from vector<16xf32>
    %jit3A_771 = arith.constant 0.000000e+00 : f32
    %broadcast_in_dim3A_772 = vector.broadcast %reduce_sum3A_770 : f32 to vector<16xf32>
    %broadcast_in_dim3A_773 = vector.broadcast %jit3A_771 : f32 to vector<16xf32>
    %select_n3A_774 = arith.select %eq3A_766, %broadcast_in_dim3A_772, %broadcast_in_dim3A_773 : vector<16xi1>, vector<16xf32>
    %add3A_775 = arith.addf %add3A_763, %select_n3A_774 : vector<16xf32>
    %eq3A_776 = arith.constant 15 : i32
    %eq3A_777 = vector.broadcast %eq3A_776 : i32 to vector<16xi32>
    %eq3A_778 = arith.cmpi eq, %iota3A, %eq3A_777 : vector<16xi32>
    %reduce_sum3A_779 = arith.constant true
    %reduce_sum3A_780 = vector.broadcast %reduce_sum3A_779 : i1 to vector<16xi1>
    %reduce_sum3A_781 = tpu.scan <sum>, %while3A_691#7 masked %reduce_sum3A_780 : vector<16xf32>, vector<16xi1> -> vector<16xf32>
    %reduce_sum3A_782 = vector.extract %reduce_sum3A_781[15] : f32 from vector<16xf32>
    %jit3A_783 = arith.constant 0.000000e+00 : f32
    %broadcast_in_dim3A_784 = vector.broadcast %reduce_sum3A_782 : f32 to vector<16xf32>
    %broadcast_in_dim3A_785 = vector.broadcast %jit3A_783 : f32 to vector<16xf32>
    %select_n3A_786 = arith.select %eq3A_778, %broadcast_in_dim3A_784, %broadcast_in_dim3A_785 : vector<16xi1>, vector<16xf32>
    %add3A_787 = arith.addf %add3A_775, %select_n3A_786 : vector<16xf32>
    %swap3A = arith.constant 0 : index
    %swap3A_788 = tpu.vector_load %arg8[%swap3A] {strides = array<i32>} : memref<16xf32, #tpu.memory_space<vmem>>, vector<16xf32>,
    tpu.vector_store %arg8[%swap3A], %add3A_787 {strides = array<i32>} : memref<16xf32, #tpu.memory_space<vmem>>, vector<16xf32>,
    %jit3A_789 = arith.constant 8 : i32
    %div3A_790 = arith.divsi %arg1, %jit3A_789 : i32
    %sign3A_791 = arith.constant 0 : i32
    %sign3A_792 = arith.cmpi sgt, %arg1, %sign3A_791 : i32
    %sign3A_793 = arith.extui %sign3A_792 : i1 to i32
    %sign3A_794 = arith.constant 0 : i32
    %sign3A_795 = arith.cmpi slt, %arg1, %sign3A_794 : i32
    %sign3A_796 = arith.extui %sign3A_795 : i1 to i32
    %sign3A_797 = arith.subi %sign3A_793, %sign3A_796 : i32
    %sign3A_798 = arith.constant 0 : i32
    %sign3A_799 = arith.cmpi sgt, %jit3A_789, %sign3A_798 : i32
    %sign3A_800 = arith.extui %sign3A_799 : i1 to i32
    %sign3A_801 = arith.constant 0 : i32
    %sign3A_802 = arith.cmpi slt, %jit3A_789, %sign3A_801 : i32
    %sign3A_803 = arith.extui %sign3A_802 : i1 to i32
    %sign3A_804 = arith.subi %sign3A_800, %sign3A_803 : i32
    %ne3A_805 = arith.cmpi ne, %sign3A_797, %sign3A_804 : i32
    %rem3A_806 = arith.remsi %arg1, %jit3A_789 : i32
    %ne3A_807 = arith.constant 0 : i32
    %ne3A_808 = arith.cmpi ne, %rem3A_806, %ne3A_807 : i32
    %and3A_809 = arith.andi %ne3A_805, %ne3A_808 : i1
    %sub3A_810 = arith.constant 1 : i32
    %sub3A_811 = arith.subi %div3A_790, %sub3A_810 : i32
    %select_n3A_812 = arith.select %and3A_809, %sub3A_811, %div3A_790 : i32
    %jit3A_813 = arith.constant 8 : i32
    %eq3A_814 = arith.constant 0 : i32
    %eq3A_815 = arith.cmpi eq, %jit3A_813, %eq3A_814 : i32
    %jit3A_816 = arith.constant 1 : i32
    %select_n3A_817 = arith.select %eq3A_815, %jit3A_816, %jit3A_813 : i32
    %rem3A_818 = arith.remsi %arg1, %select_n3A_817 : i32
    %ne3A_819 = arith.constant 0 : i32
    %ne3A_820 = arith.cmpi ne, %rem3A_818, %ne3A_819 : i32
    %lt3A = arith.constant 0 : i32
    %lt3A_821 = arith.cmpi slt, %rem3A_818, %lt3A : i32
    %lt3A_822 = arith.constant 0 : i32
    %lt3A_823 = arith.cmpi slt, %select_n3A_817, %lt3A_822 : i32
    %ne3A_824 = arith.xori %lt3A_821, %lt3A_823 : i1
    %and3A_825 = arith.andi %ne3A_824, %ne3A_820 : i1
    %add3A_826 = arith.addi %rem3A_818, %select_n3A_817 : i32
    %select_n3A_827 = arith.select %and3A_825, %add3A_826, %rem3A_818 : i32
    %mul3A = arith.constant 16 : i32
    %mul3A_828 = arith.muli %arg0, %mul3A : i32
    "tpu.region"() ({
      %run_scoped3A = tpu.sem_alloc : memref<!tpu.dma_semaphore, #tpu.memory_space<semaphore_mem>>
      %dma_start3A = tpu.memref_slice %arg5[%select_n3A_812, %select_n3A_827, %mul3A_828] : memref<2x8x128xf32, #tpu.memory_space<hbm>> -> memref<1x1x16xf32, #tpu.memory_space<hbm>>
      %dma_start3A_829 = tpu.memref_squeeze %dma_start3A : memref<1x1x16xf32, #tpu.memory_space<hbm>> -> memref<16xf32, #tpu.memory_space<hbm>>
      %dma_start3A_830 = tpu.memref_slice %arg5[%select_n3A_812, %select_n3A_827, %mul3A_828] : memref<2x8x128xf32, #tpu.memory_space<hbm>> -> memref<1x1x16xf32, #tpu.memory_space<hbm>>
      %dma_start3A_831 = tpu.memref_squeeze %dma_start3A_830 : memref<1x1x16xf32, #tpu.memory_space<hbm>> -> memref<16xf32, #tpu.memory_space<hbm>>
      tpu.enqueue_dma source(%arg8 : memref<16xf32, #tpu.memory_space<vmem>>) target(%dma_start3A_831 : memref<16xf32, #tpu.memory_space<hbm>>) target_semaphore(%run_scoped3A : memref<!tpu.dma_semaphore, #tpu.memory_space<semaphore_mem>>)
      %dma_wait3A = tpu.memref_slice %arg5[%select_n3A_812, %select_n3A_827, %mul3A_828] : memref<2x8x128xf32, #tpu.memory_space<hbm>> -> memref<1x1x16xf32, #tpu.memory_space<hbm>>
      %dma_wait3A_832 = tpu.memref_squeeze %dma_wait3A : memref<1x1x16xf32, #tpu.memory_space<hbm>> -> memref<16xf32, #tpu.memory_space<hbm>>
      %dma_wait3A_833 = tpu.memref_slice %arg5[%select_n3A_812, %select_n3A_827, %mul3A_828] : memref<2x8x128xf32, #tpu.memory_space<hbm>> -> memref<1x1x16xf32, #tpu.memory_space<hbm>>
      %dma_wait3A_834 = tpu.memref_squeeze %dma_wait3A_833 : memref<1x1x16xf32, #tpu.memory_space<hbm>> -> memref<16xf32, #tpu.memory_space<hbm>>
      tpu.wait_dma2 semaphore(%run_scoped3A : memref<!tpu.dma_semaphore, #tpu.memory_space<semaphore_mem>>) src(%arg8 : memref<16xf32, #tpu.memory_space<vmem>>) dst(%dma_wait3A_834 : memref<16xf32, #tpu.memory_space<hbm>>)
      tpu.yield
    }) : () -> ()
    return
  }
}

module attributes {stable_mosaic.version = 14 : i64} {
  func.func @_mlp_body(%arg0: memref<16x128xf32, #tpu.memory_space<vmem>>, %arg1: memref<128x32xf32, #tpu.memory_space<vmem>>, %arg2: memref<128x128xf32, #tpu.memory_space<vmem>>, %arg3: memref<128xf32, #tpu.memory_space<vmem>>, %arg4: memref<128xf32, #tpu.memory_space<vmem>>, %arg5: memref<128xf32, #tpu.memory_space<vmem>>, %arg6: memref<128xf32, #tpu.memory_space<vmem>>, %arg7: memref<16x128xf32, #tpu.memory_space<vmem>>) attributes {dimension_semantics = [], scalar_prefetch = 0 : i64, scratch_operands = 0 : i64, tpu.core_type = #tpu.core_type<tc>} {
    %get3A = arith.constant 0 : index
    %get3A_0 = arith.constant 0 : index
    %get3A_1 = vector.load %arg0[%get3A, %get3A_0] : memref<16x128xf32, #tpu.memory_space<vmem>>, vector<16x32xf32>
    %get3A_2 = arith.constant 0 : index
    %get3A_3 = arith.constant 0 : index
    %get3A_4 = vector.load %arg1[%get3A_2, %get3A_3] : memref<128x32xf32, #tpu.memory_space<vmem>>, vector<128x32xf32>
    %dot_general3A = arith.constant dense<0.000000e+00> : vector<16x128xf32>
    %dot_general3A_5 = tpu.matmul %get3A_1, %get3A_4, %dot_general3A {dimension_numbers = #tpu.dot_dimension_numbers<[1], [1], [0], [0], [0, 0, 1, 0], [], []>, transpose_lhs_hint = false} : vector<16x32xf32>, vector<128x32xf32>, vector<16x128xf32> -> vector<16x128xf32>
    %reduce_sum3A = arith.constant dense<0.000000e+00> : vector<128xf32>
    %reduce_sum3A_6 = vector.multi_reduction <add>, %dot_general3A_5, %reduce_sum3A [0] : vector<16x128xf32> to vector<128xf32>
    %broadcast_in_dim3A = vector.shape_cast %reduce_sum3A_6 : vector<128xf32> to vector<1x128xf32>
    %div3A = arith.constant 1.600000e+01 : f32
    %div3A_7 = vector.broadcast %div3A : f32 to vector<1x128xf32>
    %div3A_8 = arith.divf %broadcast_in_dim3A, %div3A_7 : vector<1x128xf32>
    %sub3A = vector.broadcast %div3A_8 : vector<1x128xf32> to vector<16x128xf32>
    %sub3A_9 = arith.subf %dot_general3A_5, %sub3A : vector<16x128xf32>
    %sub3A_10 = vector.broadcast %div3A_8 : vector<1x128xf32> to vector<16x128xf32>
    %sub3A_11 = arith.subf %dot_general3A_5, %sub3A_10 : vector<16x128xf32>
    %mul3A = arith.mulf %sub3A_9, %sub3A_11 : vector<16x128xf32>
    %reduce_sum3A_12 = arith.constant dense<0.000000e+00> : vector<128xf32>
    %reduce_sum3A_13 = vector.multi_reduction <add>, %mul3A, %reduce_sum3A_12 [0] : vector<16x128xf32> to vector<128xf32>
    %broadcast_in_dim3A_14 = vector.shape_cast %reduce_sum3A_13 : vector<128xf32> to vector<1x128xf32>
    %div3A_15 = arith.constant 1.600000e+01 : f32
    %div3A_16 = vector.broadcast %div3A_15 : f32 to vector<1x128xf32>
    %div3A_17 = arith.divf %broadcast_in_dim3A_14, %div3A_16 : vector<1x128xf32>
    %sub3A_18 = vector.broadcast %div3A_8 : vector<1x128xf32> to vector<16x128xf32>
    %sub3A_19 = arith.subf %dot_general3A_5, %sub3A_18 : vector<16x128xf32>
    %add3A = arith.constant 9.99999974E-6 : f32
    %add3A_20 = vector.broadcast %add3A : f32 to vector<1x128xf32>
    %add3A_21 = arith.addf %div3A_17, %add3A_20 : vector<1x128xf32>
    %sqrt3A = math.sqrt %add3A_21 : vector<1x128xf32>
    %div3A_22 = vector.broadcast %sqrt3A : vector<1x128xf32> to vector<16x128xf32>
    %div3A_23 = arith.divf %sub3A_19, %div3A_22 : vector<16x128xf32>
    %get3A_24 = arith.constant 0 : index
    %get3A_25 = vector.load %arg3[%get3A_24] : memref<128xf32, #tpu.memory_space<vmem>>, vector<128xf32>
    %broadcast_in_dim3A_26 = vector.shape_cast %get3A_25 : vector<128xf32> to vector<1x128xf32>
    %mul3A_27 = vector.broadcast %broadcast_in_dim3A_26 : vector<1x128xf32> to vector<16x128xf32>
    %mul3A_28 = arith.mulf %div3A_23, %mul3A_27 : vector<16x128xf32>
    %get3A_29 = arith.constant 0 : index
    %get3A_30 = vector.load %arg4[%get3A_29] : memref<128xf32, #tpu.memory_space<vmem>>, vector<128xf32>
    %broadcast_in_dim3A_31 = vector.shape_cast %get3A_30 : vector<128xf32> to vector<1x128xf32>
    %add3A_32 = vector.broadcast %broadcast_in_dim3A_31 : vector<1x128xf32> to vector<16x128xf32>
    %add3A_33 = arith.addf %mul3A_28, %add3A_32 : vector<16x128xf32>
    %max3A = arith.constant 0.000000e+00 : f32
    %max3A_34 = vector.broadcast %max3A : f32 to vector<16x128xf32>
    %max3A_35 = arith.maximumf %add3A_33, %max3A_34 : vector<16x128xf32>
    %get3A_36 = arith.constant 0 : index
    %get3A_37 = arith.constant 0 : index
    %get3A_38 = vector.load %arg2[%get3A_36, %get3A_37] : memref<128x128xf32, #tpu.memory_space<vmem>>, vector<128x128xf32>
    %dot_general3A_39 = arith.constant dense<0.000000e+00> : vector<16x128xf32>
    %dot_general3A_40 = tpu.matmul %max3A_35, %get3A_38, %dot_general3A_39 {dimension_numbers = #tpu.dot_dimension_numbers<[1], [1], [0], [0], [0, 0, 1, 0], [], []>, transpose_lhs_hint = false} : vector<16x128xf32>, vector<128x128xf32>, vector<16x128xf32> -> vector<16x128xf32>
    %reduce_sum3A_41 = arith.constant dense<0.000000e+00> : vector<128xf32>
    %reduce_sum3A_42 = vector.multi_reduction <add>, %dot_general3A_40, %reduce_sum3A_41 [0] : vector<16x128xf32> to vector<128xf32>
    %broadcast_in_dim3A_43 = vector.shape_cast %reduce_sum3A_42 : vector<128xf32> to vector<1x128xf32>
    %div3A_44 = arith.constant 1.600000e+01 : f32
    %div3A_45 = vector.broadcast %div3A_44 : f32 to vector<1x128xf32>
    %div3A_46 = arith.divf %broadcast_in_dim3A_43, %div3A_45 : vector<1x128xf32>
    %sub3A_47 = vector.broadcast %div3A_46 : vector<1x128xf32> to vector<16x128xf32>
    %sub3A_48 = arith.subf %dot_general3A_40, %sub3A_47 : vector<16x128xf32>
    %sub3A_49 = vector.broadcast %div3A_46 : vector<1x128xf32> to vector<16x128xf32>
    %sub3A_50 = arith.subf %dot_general3A_40, %sub3A_49 : vector<16x128xf32>
    %mul3A_51 = arith.mulf %sub3A_48, %sub3A_50 : vector<16x128xf32>
    %reduce_sum3A_52 = arith.constant dense<0.000000e+00> : vector<128xf32>
    %reduce_sum3A_53 = vector.multi_reduction <add>, %mul3A_51, %reduce_sum3A_52 [0] : vector<16x128xf32> to vector<128xf32>
    %broadcast_in_dim3A_54 = vector.shape_cast %reduce_sum3A_53 : vector<128xf32> to vector<1x128xf32>
    %div3A_55 = arith.constant 1.600000e+01 : f32
    %div3A_56 = vector.broadcast %div3A_55 : f32 to vector<1x128xf32>
    %div3A_57 = arith.divf %broadcast_in_dim3A_54, %div3A_56 : vector<1x128xf32>
    %sub3A_58 = vector.broadcast %div3A_46 : vector<1x128xf32> to vector<16x128xf32>
    %sub3A_59 = arith.subf %dot_general3A_40, %sub3A_58 : vector<16x128xf32>
    %add3A_60 = arith.constant 9.99999974E-6 : f32
    %add3A_61 = vector.broadcast %add3A_60 : f32 to vector<1x128xf32>
    %add3A_62 = arith.addf %div3A_57, %add3A_61 : vector<1x128xf32>
    %sqrt3A_63 = math.sqrt %add3A_62 : vector<1x128xf32>
    %div3A_64 = vector.broadcast %sqrt3A_63 : vector<1x128xf32> to vector<16x128xf32>
    %div3A_65 = arith.divf %sub3A_59, %div3A_64 : vector<16x128xf32>
    %get3A_66 = arith.constant 0 : index
    %get3A_67 = vector.load %arg5[%get3A_66] : memref<128xf32, #tpu.memory_space<vmem>>, vector<128xf32>
    %broadcast_in_dim3A_68 = vector.shape_cast %get3A_67 : vector<128xf32> to vector<1x128xf32>
    %mul3A_69 = vector.broadcast %broadcast_in_dim3A_68 : vector<1x128xf32> to vector<16x128xf32>
    %mul3A_70 = arith.mulf %div3A_65, %mul3A_69 : vector<16x128xf32>
    %get3A_71 = arith.constant 0 : index
    %get3A_72 = vector.load %arg6[%get3A_71] : memref<128xf32, #tpu.memory_space<vmem>>, vector<128xf32>
    %broadcast_in_dim3A_73 = vector.shape_cast %get3A_72 : vector<128xf32> to vector<1x128xf32>
    %add3A_74 = vector.broadcast %broadcast_in_dim3A_73 : vector<1x128xf32> to vector<16x128xf32>
    %add3A_75 = arith.addf %mul3A_70, %add3A_74 : vector<16x128xf32>
    %mul3A_76 = arith.mulf %add3A_75, %add3A_75 : vector<16x128xf32>
    %reduce_sum3A_77 = arith.constant dense<0.000000e+00> : vector<16xf32>
    %reduce_sum3A_78 = vector.multi_reduction <add>, %mul3A_76, %reduce_sum3A_77 [1] : vector<16x128xf32> to vector<16xf32>
    %broadcast_in_dim3A_79 = vector.shape_cast %reduce_sum3A_78 : vector<16xf32> to vector<16x1xf32>
    %sqrt3A_80 = math.sqrt %broadcast_in_dim3A_79 : vector<16x1xf32>
    %max3A_81 = arith.constant 9.99999996E-13 : f32
    %max3A_82 = vector.broadcast %max3A_81 : f32 to vector<16x1xf32>
    %max3A_83 = arith.maximumf %sqrt3A_80, %max3A_82 : vector<16x1xf32>
    %div3A_84 = vector.broadcast %max3A_83 : vector<16x1xf32> to vector<16x128xf32>
    %div3A_85 = arith.divf %add3A_75, %div3A_84 : vector<16x128xf32>
    %swap3A = arith.constant 0 : index
    %swap3A_86 = arith.constant 0 : index
    %swap3A_87 = vector.load %arg7[%swap3A, %swap3A_86] : memref<16x128xf32, #tpu.memory_space<vmem>>, vector<16x128xf32>
    tpu.vector_store %arg7[%swap3A, %swap3A_86], %div3A_85 {strides = array<i32>} : memref<16x128xf32, #tpu.memory_space<vmem>>, vector<16x128xf32>,
    return
  }
}

</mosaic_0001>

<sc_bundles>
// kernel: kernel.4.cloned.1.call-start
scs
__scs_entry_jumppad:
0x0: {  	(pc) =	sbr.rel $0x88, $3  }
0x1: {  	(tag) =	ssettag $0x0;
	lr =	simm.s32 $0x1  }
0x2: {  	[smem:$0x3F93] =	sst lr;
	_ =	strace $0xD0000000  }
0x3: {  	_ = 	snop  }
0x4: {  	_ = 	snop  }
0x5: {  	_ = 	snop  }
0x6: {  	_ = 	snop  }
0x7: {  	_ = 	snop  }
__scs_overlays_trampoline_lowered:
0x8: {  	[smem:$0x3FA2] =	sst s0  }
0x9: {  	[smem:$0x3FA3] =	sst s1  }
0xa: {  	[smem:$0x3FA4] =	sst s2  }
0xb: {  	[smem:$0x3FA5] =	sst s3  }
0xc: {  	[smem:$0x3FA6] =	sst s4  }
0xd: {  	[smem:$0x3FA7] =	sst s5  }
0xe: {  	[smem:$0x3FA8] =	sst s6  }
0xf: {  	[smem:$0x3FA9] =	sst s7  }
0x10: {  	[smem:$0x3FAA] =	sst s8  }
0x11: {  	[smem:$0x3FAB] =	sst s9;
	s0 =	simm.s32 @!p0 $0x0  }
0x12: {  	s1 =	sld [smem:$0x3F91];
	s0 =	simm.s32 @p0 $0x1  }
0x13: {  	[smem:$0x3FAC] =	sst s0;
	s0 =	simm.s32 @!p1 $0x0  }
0x14: {  	s2 =	sld [smem:$0x3F90];
	s0 =	simm.s32 @p1 $0x1  }
0x15: {  	[smem:$0x3FAD] =	sst s0;
	s0 =	simm.s32 @!p2 $0x0  }
0x16: {  	s3 =	sld [smem:$0x3FDB];
	s0 =	simm.s32 @p2 $0x1  }
0x17: {  	s4 =	simm.s32 $0x1BF5;
	[smem:$0x3FAF] =	sst s0  }
0x18: {  	s0 =	sld [smem:$0x3F92];
	_ =	swait.ge [sflag:s4], $0x0  }
0x19: {  	s7 =	sld [smem:$0x3F93]  }
0x1a: {  	s8 =	sadd.s32 $0xFFFFE003, lr  }
0x1b: {  	s9 =	sadd.s32 $0xFFFFFEF7, lr;
	s5 =	simm.s32 $0xFFFFFFFF;
	p2 =	slt.u32 s8, $0xFFFFF086  }
0x1c: {  	p1 =	slt.u32 s9, $0xF7A;
	s5 =	simm.s32 @!p2 $0x0  }
0x1d: {  	s5 =	simm.s32 @p1 $0x1;
	p0 =	seq.s32 s7, s2  }
0x1e: {  	s7 =	smul.u32 @!p0 $0xF7A, s2;
	p2 =	seq.s32 @!p0 s5, $0x0  }
0x1f: {  	s9 =	smul.u32 $0xF7A, s1;
	s8 =	simm.s32 @!p0 $0x1BF5;
	p2 =	por !p2, p0  }
0x20: {  	[sflag:s8] =	ssyncset.s32 @!p0 $0xFFFFF086;
	s6 =	sadd.s32 @!p0 s3, s7;
	s7 =	simm.s32 @!p0 $0x108  }
0x21: {  	s3 =	sadd.s32 s3, s9;
	s6 =	sadd.s32 @!p0 $0x88, s6;
	s7 =	simm.s32 @p2 $0x1082  }
0x22: {  	[simem:s7], [sflag:s8] =	dma.local @!p0 [hbm:s6], $0xF7A  }
0x23: {  	s9 =	sor.u32 $0xD0000000, s2;
	s6 =	simm.s32 $0x108;
	_ =	swait.ge @!p0 [sflag:s8], $0x0  }
0x24: {  	s3 =	sadd.s32 $0x88, s3;
	s6 =	simm.s32 @!p1 $0x1082;
	[sflag:s4] =	ssyncset.s32 $0xFFFFF086  }
0x25: {  	[simem:s6], [sflag:s4] =	dma.local [hbm:s3], $0xF7A  }
0x26: {  	[smem:$0x3F93] =	sst s1;
	(tag) =	ssettag s2;
	_ =	strace s9  }
0x27: {  	s1 =	sld [smem:$0x3FA3]  }
0x28: {  	s2 =	sld [smem:$0x3FA4]  }
0x29: {  	s4 =	sld [smem:$0x3FA6]  }
0x2a: {  	p0 =	seq.s32 s5, $0x0;
	s5 =	sld [smem:$0x3FA7]  }
0x2b: {  	s6 =	sld [smem:$0x3FA8]  }
0x2c: {  	s7 =	sld [smem:$0x3FA9]  }
0x2d: {  	s3 =	simm.s32 $0x108;
	s8 =	sld [smem:$0x3FAA]  }
0x2e: {  	s3 =	simm.s32 @!p0 $0x1082;
	s9 =	sld [smem:$0x3FAB]  }
0x2f: {  	lr =	sadd.s32 s0, s3;
	s0 =	sld [smem:$0x3FA2]  }
0x30: {  	s3 =	sld [smem:$0x3FA5]  }
0x31: {  	[smem:$0x3FAE] =	sst s10  }
0x32: {  	s10 =	sld [smem:$0x3FAC];
	_ =	sdelay $0x3  }
0x33: {  	p0 =	seq.s32 s10, $0x1;
	s10 =	sld [smem:$0x3FAE];
	_ =	sdelay $0x3  }
0x34: {  	[smem:$0x3FAE] =	sst s10  }
0x35: {  	s10 =	sld [smem:$0x3FAD];
	_ =	sdelay $0x3  }
0x36: {  	p1 =	seq.s32 s10, $0x1;
	s10 =	sld [smem:$0x3FAE];
	_ =	sdelay $0x3  }
0x37: {  	[smem:$0x3FAE] =	sst s10  }
0x38: {  	s10 =	sld [smem:$0x3FAF]  }
0x39: {  	_ = 	snop;
	(pc) =	sbr.ind lr, $3  }
0x3a: {  	_ = 	snop  }
0x3b: {  	_ = 	snop  }
0x3c: {  	p2 =	seq.s32 s10, $0x1;
	s10 =	sld [smem:$0x3FAE]  }
0x3d: {  	_ =	shalt  }
0x3e: {  	_ =	shalt  }
0x3f: {  	_ =	shalt  }
0x40: {  	_ =	shalt  }
0x41: {  	_ =	shalt  }
0x42: {  	_ =	shalt  }
0x43: {  	_ =	shalt  }
0x44: {  	_ =	shalt  }
0x45: {  	_ =	shalt  }
0x46: {  	_ =	shalt  }
0x47: {  	_ =	shalt  }
0x48: {  	_ =	shalt  }
0x49: {  	_ =	shalt  }
0x4a: {  	_ =	shalt  }
0x4b: {  	_ =	shalt  }
0x4c: {  	_ =	shalt  }
0x4d: {  	_ =	shalt  }
0x4e: {  	_ =	shalt  }
0x4f: {  	_ =	shalt  }
0x50: {  	_ =	shalt  }
0x51: {  	_ =	shalt  }
0x52: {  	_ =	shalt  }
0x53: {  	_ =	shalt  }
0x54: {  	_ =	shalt  }
0x55: {  	_ =	shalt  }
0x56: {  	_ =	shalt  }
0x57: {  	_ =	shalt  }
0x58: {  	_ =	shalt  }
0x59: {  	_ =	shalt  }
0x5a: {  	_ =	shalt  }
0x5b: {  	_ =	shalt  }
0x5c: {  	_ =	shalt  }
0x5d: {  	_ =	shalt  }
0x5e: {  	_ =	shalt  }
0x5f: {  	_ =	shalt  }
0x60: {  	_ =	shalt  }
0x61: {  	_ =	shalt  }
0x62: {  	_ =	shalt  }
0x63: {  	_ =	shalt  }
0x64: {  	_ =	shalt  }
0x65: {  	_ =	shalt  }
0x66: {  	_ =	shalt  }
0x67: {  	_ =	shalt  }
0x68: {  	_ =	shalt  }
0x69: {  	_ =	shalt  }
0x6a: {  	_ =	shalt  }
0x6b: {  	_ =	shalt  }
0x6c: {  	_ =	shalt  }
0x6d: {  	_ =	shalt  }
0x6e: {  	_ =	shalt  }
0x6f: {  	_ =	shalt  }
0x70: {  	_ =	shalt  }
0x71: {  	_ =	shalt  }
0x72: {  	_ =	shalt  }
0x73: {  	_ =	shalt  }
0x74: {  	_ =	shalt  }
0x75: {  	_ =	shalt  }
0x76: {  	_ =	shalt  }
0x77: {  	_ =	shalt  }
0x78: {  	_ =	shalt  }
0x79: {  	_ =	shalt  }
0x7a: {  	_ =	shalt  }
0x7b: {  	_ =	shalt  }
0x7c: {  	_ =	shalt  }
0x7d: {  	_ =	shalt  }
0x7e: {  	_ =	shalt  }
0x7f: {  	_ =	shalt  }
0x80: {  	_ =	shalt  }
0x81: {  	_ =	shalt  }
0x82: {  	_ =	shalt  }
0x83: {  	_ =	shalt  }
0x84: {  	_ =	shalt  }
0x85: {  	_ =	shalt  }
0x86: {  	_ =	shalt  }
0x87: {  	_ =	shalt  }
.Lfunc_end0:
.L_simem_size_0:
called_computation_lowered:
.L_overlay_start_0:
0x88: {  	s2 =	sld [smem:$0x3FD9]  }
0x89: {  	s3 =	sld [smem:$0x3FFE];
	_ =	sdelay $0x1  }
0x8a: {  	s1 =	srdreg.scid  }
0x8b: {  	s0 =	sand.u32 $0x1, s1  }
0x8c: {  	s17 =	sshll.u32 s0, $0xA;
	s2 =	sadd.s32 s3, s2  }
0x8d: {  	s2 =	sadd.s32 s2, s17  }
0x8e: {  	[smem:$0x3FBA] =	sst s2  }
0x8f: {  	_ = 	snop  }
0x90: {  	s2 =	sld [smem:$0x3FD0];
	(tm) =	ssettm $0x1  }
0x91: {  	s18 =	sld [smem:$0x3FFB];
	_ =	sdelay $0x3  }
0x92: {  	_ =	strace s18  }
0x93: {  	s3 =	sld [smem:$0x3FFC];
	_ =	sdelay $0x3  }
0x94: {  	_ =	strace s3  }
0x95: {  	s3 =	sld [smem:$0x3FFD];
	_ =	sdelay $0x3  }
0x96: {  	_ =	strace s3  }
0x97: {  	_ =	strace $0x8FFFFFFF  }
0x98: {  	s19 =	sld [smem:$0x3FDB];
	_ =	sdelay $0x1  }
0x99: {  	s4 =	simm.s32 $_scs_section_size  }
0x9a: {  	s5 =	simm.s32 $_size__tile_overlayer_lowered;
	s6 =	simm.s32 $_tile_overlayer_lowered  }
0x9b: {  	s22 =	simm.s32 $0x1BFF;
	s21 =	sshll.u32 s6, $0x1;
	s3 =	sadd.s32 s4, s19  }
0x9c: {  	s7 =	simm.s32 $0x0;
	s20 =	sshll.u32 s5, $0x1;
	s5 =	sadd.s32 s21, s3  }
0x9d: {  	[timem:s7], [sflag:s22] =	dma.local [hbm:s5], s20  }
0x9e: {  	_ =	swait.ge [sflag:s22], s20  }
0x9f: {  	s4 =	ssub.s32 $0x0, s20;
	[sflag:s22] =	ssyncset.done $0x0  }
0xa0: {  	[sflag:s22] =	ssyncadd.s32 s4;
	_ =	sdelay $0x1  }
0xa1: {  	s23 =	simm.s32 $0x1B8B  }
0xa2: {  	_ =	swait.ge [sflag:s23], $0x1  }
0xa3: {  	[sflag:s23] =	ssyncset.done $0x0  }
0xa4: {  	s25 =	simm.s32 $0x1B8E;
	s24 =	sld [smem:$0x3FFE];
	[sflag:s23] =	ssyncadd.s32 $0xFFFFFFFF  }
0xa5: {  	s26 =	simm.s32 $execute0_lowered;
	[smem:$0x3FD2] =	sst s25  }
0xa6: {  	s5 =	sshll.u32 s26, $0x1;
	_ =	strace $0x80000046;
	[dreg:$0x1] =	wrdreg $0xFFFFFFFF  }
0xa7: {  	s28 =	simm.s32 $_size_execute0_lowered;
	s3 =	sadd.s32 s3, s5;
	[dreg:$0x0] =	wrdreg $0x0  }
0xa8: {  	s5 =	sshll.u32 s28, $0x1;
	[dreg:$0x2] =	wrdreg s3  }
0xa9: {  	[dreg:$0x3] =	wrdreg s5  }
0xaa: {  	[dreg:$0x4] =	wrdreg $0xC0  }
0xab: {  	_ =	task [dreg:s7], $0x5FFFF  }
0xac: {  	[dreg:$0x1] =	wrdreg $0xFFFFFFFF  }
0xad: {  	[dreg:$0x0] =	wrdreg $0x60  }
0xae: {  	[dreg:$0x2] =	wrdreg s24  }
0xaf: {  	[dreg:$0x3] =	wrdreg s2  }
0xb0: {  	[dreg:$0x4] =	wrdreg $0x9  }
0xb1: {  	_ =	task.clear_ibuf [dreg:s7], $0x5FFFF;
	_ =	strace $0x90000046  }
0xb2: {  	s29 =	simm.s32 $0x9;
	_ =	strace $0x80000048  }
0xb3: {  	_ =	swait.ge [sflag:s29], $0x1  }
0xb4: {  	[sflag:s29] =	ssyncadd.s32 $0xFFFFFFFF  }
0xb5: {  	_ =	strace $0x90000048  }
0xb6: {  	_ =	sfence  }
0xb7: {  	s30 =	sld [smem:$0x0];
	_ =	sdelay $0x2  }
0xb8: {  	s31 =	sshll.u32 s1, $0xD;
	s1 =	sshrl.u32 s1, $0x2  }
0xb9: {  	s3 =	sand.u32 $0x4000, s31;
	s1 =	sadd.s32 s1, s30  }
0xba: {  	s0 =	sor.u32 s3, s0;
	s1 =	sshll.u32 s1, $0x11  }
0xbb: {  	s0 =	sor.u32 s1, s0  }
0xbc: {  	s0 =	sadd.s32 $0x8F2B, s0  }
0xbd: {  	[sflag:s0] =	ssyncadd.remote.s32 $0x1  }
0xbe: {  	_ =	sfence.sel $0xFFFF  }
0xbf: {  	[dreg:$0x0] =	wrdreg $0xFFFFFFFF;
	(pc) =	sbr.abs _section_cstart, $3  }
0xc0: {  	[dreg:$0x1] =	wrdreg $0xFFFFFFFF  }
0xc1: {  	_ =	task.clear_ibuf [dreg:s7], $0x2FFFF;
	_ =	strace $0x9FFFFFFF  }
0xc2: {  	(tm) =	ssettm $0x7FFFFFFF  }
0xc3: {  	_ =	shalt  }
tec
execute0_lowered:
.L_overlay_start_1:
0x0: {  	(tag) =	ssettag $0x1  }
0x1: {  	s4 =	rddreg [dreg:$0x0]  }
0x2: {  	s5 =	rddreg [dreg:$0x1]  }
0x3: {  	s2 =	srdreg.scid;
	s1 =	stileid.u32  }
0x4: {  	s0 =	rddreg [dreg:$0x2];
	s12 =	simm.s32 $0x0;
	s6 =	sand.u32 $0x1, s2  }
0x5: {  	s2 =	simm.s32 $0x0;
	s31 =	sshll.u32 s1, $0xA;
	s10 =	sshll.u32 s1, $0x4  }
0x6: {  	s11 =	sshll.u32 s1, $0x7;
	s7 =	sshll.u32 s6, $0x4;
	s3 =	ssub.s32 $0x2, s6  }
0x7: {  	[smem:$0x7FF] =	sst s2;
	p0 =	seq.s32 s6, $0x1;
	s10 =	sand.u32 $0x70, s10  }
0x8: {  	v1 =	vlaneseq.u32;
	v0 =	vmov s1;
	s6 =	sand.u32 $0x2000, s31;
	s8 =	sadd.s32 s7, s4;
	s9 =	sshrl.u32 s3, $0x1  }
0x9: {  	v63 =	vimm.s32 $0x0;
	vm1 =	vcmask $0x1F24;
	vm0 =	veq.s32 v0, v1;
	s9 =	ssub.s32 s3, s9;
	s3 =	sadd.s32 $0xA400, s8;
	s8 =	simm.s32 $0x6400  }
.Ltmp0:
0xa: {  	vm2 =	vcmask $0x2328;
	vm3 =	vcmask $0x272C;
	v0 =	vsel vm0, $0xFFFFFFFF, v63;
	s7 =	sor.u32 s7, s11;
	s8 =	simm.s32 @!p0 $0x2400;
	(pc) =	sbr.rel .LBB2_1-.Ltmp0, $4  }
0xb: {  	vm4 =	vcmask $0x2B30;
	vm5 =	vcmask $0x2F34;
	vm6 =	vcmask $0x3338;
	s11 =	simm.s32 $0x2080;
	[tilespmem:$0x1FFF0] =	vst v0;
	s7 =	sshrl.u32 s7, $0x3;
	s4 =	sadd.s32 s8, s4  }
0xc: {  	vm7 =	vcmask $0x373C;
	vm8 =	vmmov $0x7fff;
	vm9 =	vcmask $0x1B20;
	_ =	strace $0x80000047;
	s8 =	sadd.s32 s4, s10;
	s4 =	sadd.s32 s5, s7  }
0xd: {  	vm10 =	vcmask $0x171C;
	vm11 =	vcmask $0x1318;
	vm12 =	vcmask $0xF14;
	s5 =	smax.u32 s9, $0x1;
	s7 =	simm.s32 $0x2000;
	s9 =	simm.s32 $0x80  }
0xe: {  	vm13 =	vcmask $0xB10;
	vm14 =	vcmask $0x70C;
	vm15 =	vcmask $0x308;
	s10 =	simm.s32 $0x400;
	s6 =	sadd.s32 s6, s8;
	s8 =	simm.s32 $0x1  }
.LBB2_11:
0xf: {  	v50 =	vimm.f32 $0.0e+00;
	v51 =	vimm.f32 $0.0e+00  }
0x10: {  	v52 =	vimm.f32 $0.0e+00;
	v31 =	vimm.f32 $0.0e+00;
	v32 =	vimm.f32 $0.0e+00  }
0x11: {  	v45 =	vimm.f32 $0.0e+00;
	v47 =	vimm.f32 $0.0e+00;
	v49 =	vimm.f32 $0.0e+00  }
.LBB2_16:
0x12: {  	v0 =	vmul.f32 v54, v3;
	v3 =	vmul.f32 v57, v57  }
0x13: {  	v4 =	vmul.f32 v53, v4  }
0x14: {  	v2 =	vmul.f32 v61, v2;
	v0 =	vadd.f32 v46, v0;
	v3 =	vmul.f32 v3, v5  }
0x15: {  	(erf) = vpow2.f32 v58;
	v5 =	vmul.f32 v62, v9;
	v4 =	vadd.f32 v30, v4  }
0x16: {  	v6 =	vmul.f32 $1.442695020e+00, v55;
	v0 =	vmul.f32 $1.442695020e+00, v0;
	v3 =	vadd.f32 v29, v3  }
0x17: {  	(erf) = vpow2.f32 v59;
	v5 =	vadd.f32 v5, v56;
	v4 =	vmul.f32 $1.442695020e+00, v4  }
0x18: {  	(erf) = vpow2.f32 v0;
	v0 =	vadd.f32 v48, v2;
	v2 =	vmul.f32 $1.442695020e+00, v3  }
0x19: {  	v3 =	vmul.f32 $1.442695020e+00, v5;
	(erf) = vpow2.f32 v6  }
0x1a: {  	(erf) = vpow2.f32 v4;
	v0 =	vmul.f32 $1.442695020e+00, v0  }
0x1b: {  	(erf) = vpow2.f32 v2  }
0x1c: {  	(erf) = vpow2.f32 v3  }
0x1d: {  	v2 =	vpop @p0 (erf)  }
0x1e: {  	(erf) = vpow2.f32 v0;
	v0 =	vpop @p0 (erf)  }
0x1f: {  	v3 =	vpop (erf)  }
0x20: {  	v4 =	vpop (erf)  }
0x21: {  	v5 =	vpop (erf)  }
0x22: {  	v8 =	vpop (erf)  }
0x23: {  	v6 =	vadd.f32 @p0 v60, v50;
	v7 =	vadd.f32 @p0 v2, v51;
	v10 =	vpop (erf)  }
0x24: {  	v9 =	vadd.f32 @p0 v0, v52;
	v2 =	vadd.f32 v3, v32;
	v3 =	vpop (erf)  }
0x25: {  	v11 =	vld [tilespmem:$0x1FDF0];
	v7 =	vpsel p0, v7, v1;
	v0 =	vadd.f32 v4, v31;
	v4 =	vadd.f32 v8, v47;
	v8 =	vpop (erf)  }
0x26: {  	v6 =	vpsel p0, v6, v1;
	v9 =	vpsel p0, v9, v1;
	v1 =	vadd.f32 v8, v7;
	v8 =	vld [tilespmem:$0x1FDD0]  }
0x27: {  	v6 =	vadd.f32 v10, v6;
	v10 =	vpop (erf);
	v7 =	vld [tilespmem:$0x1FDC0]  }
0x28: {  	v33 =	vadd.f32 v10, v9;
	v10 =	vld [tilespmem:$0x1FE00]  }
0x29: {  	v5 =	vadd.f32 v5, v45;
	v3 =	vadd.f32 v3, v49;
	v9 =	vld [tilespmem:$0x1FDE0]  }
.LBB2_17:
0x2a: {  	_ =	sdelay $0x1  }
0x2b: {  	v7 =	vbroadcast v7, $0xF  }
0x2c: {  	vm0 =	vmmov $0x1  }
0x2d: {  	v8 =	vbroadcast v8, $0xF;
	v7 =	vnsel vm0, $0x0, v7  }
0x2e: {  	vm0 =	vcmask $0x704;
	v7 =	vadd.f32 $0.0e+00, v7  }
0x2f: {  	v9 =	vbroadcast v9, $0xF;
	v8 =	vnsel vm0, $0x0, v8  }
0x30: {  	(xrf2) =	vadd.scan.msk.f32 $0xffff, v33;
	vm0 =	vcmask $0xB08;
	v7 =	vadd.f32 v8, v7  }
0x31: {  	v34 =	vbroadcast v11, $0xF;
	v33 =	vnsel vm0, $0x0, v9  }
0x32: {  	(xrf2) =	vadd.scan.msk.f32 $0xffff, v5;
	vm0 =	vcmask $0xF0C;
	v7 =	vadd.f32 v33, v7  }
0x33: {  	v36 =	vbroadcast v10, $0xF;
	v35 =	vnsel vm0, $0x0, v34  }
0x34: {  	(xrf2) =	vadd.scan.msk.f32 $0xffff, v6;
	vm0 =	vcmask $0x1310;
	v5 =	vadd.f32 v35, v7  }
0x35: {  	v38 =	vbroadcast v63, $0xF;
	v37 =	vnsel vm0, $0x0, v36  }
0x36: {  	(xrf2) =	vadd.scan.msk.f32 $0xffff, v4;
	vm0 =	vcmask $0x1714;
	v5 =	vadd.f32 v37, v5  }
0x37: {  	v40 =	vbroadcast v40, $0xF;
	v39 =	vnsel vm0, $0x0, v38  }
0x38: {  	(xrf2) =	vadd.scan.msk.f32 $0xffff, v2;
	vm0 =	vcmask $0x1B18;
	v4 =	vadd.f32 v39, v5  }
0x39: {  	v43 =	vbroadcast v41, $0xF;
	v42 =	vnsel vm0, $0x0, v40  }
0x3a: {  	v44, _, _ =	vpop (xrf2);
	(xrf2) =	vadd.scan.msk.f32 $0xffff, v3;
	vm0 =	vcmask $0x1F1C;
	v2 =	vadd.f32 v42, v4  }
0x3b: {  	v45 =	vnsel vm0, $0x0, v43;
	v4 =	vbroadcast v44, $0xF  }
0x3c: {  	v46, _, _ =	vpop (xrf2);
	(xrf2) =	vadd.scan.msk.f32 $0xffff, v0;
	vm0 =	vcmask $0x2320;
	v2 =	vadd.f32 v45, v2  }
0x3d: {  	v3 =	vbroadcast v46, $0xF;
	v47 =	vnsel vm0, $0x0, v4  }
0x3e: {  	v48, _, _ =	vpop (xrf2);
	vm0 =	vcmask $0x2724;
	v0 =	vadd.f32 v47, v2  }
0x3f: {  	v50 =	vbroadcast v48, $0xF;
	v49 =	vnsel vm0, $0x0, v3  }
0x40: {  	(xrf2) =	vadd.scan.msk.f32 $0xffff, v1;
	v51, _, _ =	vpop (xrf2);
	vm0 =	vcmask $0x2B28;
	v0 =	vadd.f32 v49, v0  }
0x41: {  	v52 =	vnsel vm0, $0x0, v50;
	v2 =	vbroadcast v51, $0xF  }
0x42: {  	v53, _, _ =	vpop (xrf2);
	vm0 =	vcmask $0x2F2C;
	v0 =	vadd.f32 v52, v0  }
0x43: {  	v55 =	vbroadcast v53, $0xF;
	v54 =	vnsel vm0, $0x0, v2  }
0x44: {  	v56, _, _ =	vpop (xrf2);
	vm0 =	vcmask $0x3330;
	v0 =	vadd.f32 v54, v0  }
0x45: {  	v58 =	vbroadcast v56, $0xF;
	v57 =	vnsel vm0, $0x0, v55  }
0x46: {  	v59, _, _ =	vpop (xrf2);
	vm0 =	vcmask $0x3734;
	v0 =	vadd.f32 v57, v0  }
0x47: {  	v61 =	vbroadcast v59, $0xF;
	v60 =	vnsel vm0, $0x0, v58  }
0x48: {  	vm0 =	vcmask $0x3B38;
	v0 =	vadd.f32 v60, v0  }
0x49: {  	v62 =	vnsel vm0, $0x0, v61  }
0x4a: {  	v63, _, _ =	vpop (xrf2);
	v0 =	vadd.f32 v62, v0  }
0x4b: {  	v1 =	vsel vm8, $0x0, v63  }
0x4c: {  	s12 =	sadd.s32 $0x1, s12;
	v0 =	vadd.f32 v0, v1  }
0x4d: {  	p0 =	sne.s32 s12, s5  }
.Ltmp1:
0x4e: {  	[tilespmem:$0x2080] =	vst v0;
	(pc) =	sbr.rel @!p0 .LBB2_18-.Ltmp1, $4  }
0x4f: {  	[hbm4b:s4+s2] =	stream.linear.scatter [tilespmem:s11], [sflag:$0x1], $0x10, $0x38;
	[tilespmem:$0x2100] =	vst v63  }
0x50: {  	_ =	swait.ge [sflag:s8], $0x10  }
0x51: {  	[sflag:s8] =	ssyncset.done $0x0  }
0x52: {  	[sflag:s8] =	ssyncadd.s32 $0xFFFFFFF0  }
.LBB2_1:
0x53: {  	[tilespmem:s7], [sflag:$0x1] =	stream.linear.gather [hbm4b:s3+s2], $0x80, $0x38;
	[tilespmem:$0x2100] =	vst v63  }
0x54: {  	_ =	swait.ge [sflag:s8], $0x80  }
0x55: {  	[sflag:s8] =	ssyncset.done $0x0  }
0x56: {  	[sflag:s8] =	ssyncadd.s32 $0xFFFFFF80  }
0x57: {  	[tilespmem:s2], [sflag:$0x1] =	stream.strided.gather [hbm4b:s6+s9], $0x2000, s10, s9, $0x38;
	[tilespmem:$0x2100] =	vst v63  }
0x58: {  	_ =	swait.ge [sflag:s8], $0x2000  }
0x59: {  	[sflag:s8] =	ssyncset.done $0x0  }
0x5a: {  	v5 =	vld [tilespmem:$0x1FFF0];
	[sflag:s8] =	ssyncadd.s32 $0xFFFFE000  }
0x5b: {  	v4 =	vld [tilespmem:$0x2000]  }
0x5c: {  	v0 =	vld [tilespmem:$0x2010]  }
0x5d: {  	v1 =	vld [tilespmem:$0x2020]  }
0x5e: {  	v2 =	vld [tilespmem:$0x2030]  }
0x5f: {  	v3 =	vld [tilespmem:$0x2040];
	vm0 =	vnez.u8 v5  }
0x60: {  	v4 =	vnsel vm0, $0x0, v4  }
0x61: {  	(xrf2) =	vadd.scan.msk.f32 $0xffff, v4;
	v4 =	vsel vm1, $0x0, v0  }
0x62: {  	(xrf2) =	vadd.scan.msk.f32 $0xffff, v4;
	v4 =	vsel vm1, $0x0, v1  }
0x63: {  	(xrf2) =	vadd.scan.msk.f32 $0xffff, v4;
	v4 =	vsel vm1, $0x0, v2  }
0x64: {  	(xrf2) =	vadd.scan.msk.f32 $0xffff, v4;
	v4 =	vsel vm1, $0x0, v3  }
0x65: {  	(xrf2) =	vadd.scan.msk.f32 $0xffff, v4;
	v4 =	vsel vm2, $0x0, v0  }
0x66: {  	(xrf2) =	vadd.scan.msk.f32 $0xffff, v4;
	v4 =	vsel vm2, $0x0, v1  }
0x67: {  	(xrf2) =	vadd.scan.msk.f32 $0xffff, v4;
	v4 =	vsel vm2, $0x0, v2  }
0x68: {  	(xrf2) =	vadd.scan.msk.f32 $0xffff, v4;
	v4 =	vsel vm2, $0x0, v3  }
0x69: {  	(xrf2) =	vadd.scan.msk.f32 $0xffff, v4;
	v4 =	vsel vm3, $0x0, v0  }
0x6a: {  	(xrf2) =	vadd.scan.msk.f32 $0xffff, v4;
	v4 =	vsel vm3, $0x0, v1  }
0x6b: {  	v5, _, _ =	vpop (xrf2);
	(xrf2) =	vadd.scan.msk.f32 $0xffff, v4;
	v4 =	vsel vm3, $0x0, v2  }
0x6c: {  	v25, _, _ =	vpop (xrf2);
	(xrf2) =	vadd.scan.msk.f32 $0xffff, v4;
	v4 =	vsel vm3, $0x0, v3  }
0x6d: {  	(v2sf) =	vpush v5, $0xF;
	v26, _, _ =	vpop (xrf2);
	(xrf2) =	vadd.scan.msk.f32 $0xffff, v4;
	v4 =	vsel vm4, $0x0, v0  }
0x6e: {  	v27, _, _ =	vpop (xrf2);
	(xrf2) =	vadd.scan.msk.f32 $0xffff, v4;
	v4 =	vsel vm4, $0x0, v1  }
0x6f: {  	v28, _, _ =	vpop (xrf2);
	(xrf2) =	vadd.scan.msk.f32 $0xffff, v4;
	v4 =	vsel vm4, $0x0, v2  }
0x70: {  	v29, _, _ =	vpop (xrf2);
	(xrf2) =	vadd.scan.msk.f32 $0xffff, v4;
	v4 =	vsel vm4, $0x0, v3  }
0x71: {  	v30, _, _ =	vpop (xrf2);
	(xrf2) =	vadd.scan.msk.f32 $0xffff, v4;
	v4 =	vsel vm5, $0x0, v0  }
0x72: {  	v31, _, _ =	vpop (xrf2);
	(xrf2) =	vadd.scan.msk.f32 $0xffff, v4;
	v4 =	vsel vm5, $0x0, v1  }
0x73: {  	v32, _, _ =	vpop (xrf2);
	(xrf2) =	vadd.scan.msk.f32 $0xffff, v4;
	v4 =	vsel vm5, $0x0, v2  }
0x74: {  	v12, _, _ =	vpop (xrf2);
	(xrf2) =	vadd.scan.msk.f32 $0xffff, v4;
	v4 =	vsel vm5, $0x0, v3  }
0x75: {  	v13, _, _ =	vpop (xrf2);
	(xrf2) =	vadd.scan.msk.f32 $0xffff, v4;
	v4 =	vsel vm6, $0x0, v0  }
0x76: {  	v14, _, _ =	vpop (xrf2);
	(xrf2) =	vadd.scan.msk.f32 $0xffff, v4;
	v4 =	vsel vm6, $0x0, v1  }
0x77: {  	v15, _, _ =	vpop (xrf2);
	(xrf2) =	vadd.scan.msk.f32 $0xffff, v4;
	v4 =	vsel vm6, $0x0, v2  }
0x78: {  	v16, _, _ =	vpop (xrf2);
	(xrf2) =	vadd.scan.msk.f32 $0xffff, v4;
	v4 =	vsel vm6, $0x0, v3  }
0x79: {  	v17, _, _ =	vpop (xrf2);
	(xrf2) =	vadd.scan.msk.f32 $0xffff, v4;
	v4 =	vsel vm7, $0x0, v0  }
0x7a: {  	v18, _, _ =	vpop (xrf2);
	(xrf2) =	vadd.scan.msk.f32 $0xffff, v4;
	v4 =	vsel vm7, $0x0, v1  }
0x7b: {  	v19, _, _ =	vpop (xrf2);
	(xrf2) =	vadd.scan.msk.f32 $0xffff, v4;
	v4 =	vsel vm7, $0x0, v2  }
0x7c: {  	s13 =	spop (v2sf);
	v20, _, _ =	vpop (xrf2);
	(xrf2) =	vadd.scan.msk.f32 $0xffff, v4;
	v4 =	vsel vm7, $0x0, v3  }
0x7d: {  	s14 =	scvt.f32.s32 s13;
	v21, _, _ =	vpop (xrf2);
	(xrf2) =	vadd.scan.msk.f32 $0xffff, v4;
	v4 =	vsel vm8, $0x0, v0  }
0x7e: {  	v22, _, _ =	vpop (xrf2);
	(xrf2) =	vadd.scan.msk.f32 $0xffff, v4;
	v4 =	vsel vm8, $0x0, v1  }
0x7f: {  	s13 =	sadd.s32 $0xF, s14;
	v23, _, _ =	vpop (xrf2);
	(xrf2) =	vadd.scan.msk.f32 $0xffff, v4;
	v4 =	vsel vm8, $0x0, v2  }
0x80: {  	s15 =	sand.u32 $0xF, s13;
	v24, _, _ =	vpop (xrf2);
	(xrf2) =	vadd.scan.msk.f32 $0xffff, v4;
	v4 =	vsel vm8, $0x0, v3  }
0x81: {  	s31 =	sshra.s32 s13, $0x1F;
	p1 =	slt.s32 s13, $0x1;
	p0 =	sne.s32 s15, $0x0;
	v34, _, _ =	vpop (xrf2);
	(xrf2) =	vadd.scan.msk.f32 $0xffff, v4  }
0x82: {  	s15 =	sshrl.u32 s31, $0x1C;
	p0 =	por !p1, !p0;
	v36, _, _ =	vpop (xrf2)  }
0x83: {  	s13 =	sadd.s32 s15, s13;
	s15 =	simm.s32 $0x1;
	p0 =	por !p0, !p0;
	v35, _, _ =	vpop (xrf2)  }
0x84: {  	s13 =	sshra.s32 s13, $0x4;
	s15 =	simm.s32 @!p0 $0x0;
	v37, _, _ =	vpop (xrf2)  }
0x85: {  	s13 =	ssub.s32 s13, s15;
	v38, _, _ =	vpop (xrf2)  }
0x86: {  	p0 =	slt.s32 s13, $0x1;
	v39, _, _ =	vpop (xrf2)  }
.Ltmp2:
0x87: {  	v46, _, _ =	vpop (xrf2);
	(pc) =	sbr.rel @p0 .LBB2_9-.Ltmp2, $4  }
0x88: {  	v47, _, _ =	vpop (xrf2)  }
0x89: {  	v33 =	vimm.f32 $0.0e+00;
	v10 =	vimm.f32 $0.0e+00;
	v9 =	vimm.f32 $0.0e+00;
	v48, _, _ =	vpop (xrf2)  }
0x8a: {  	v7 =	vimm.f32 $0.0e+00;
	v6 =	vimm.f32 $0.0e+00;
	v8 =	vimm.f32 $0.0e+00;
	v49, _, _ =	vpop (xrf2)  }
0x8b: {  	v11 =	vimm.f32 $0.0e+00;
	v5 =	vimm.f32 $0.0e+00;
	v4 =	vimm.f32 $0.0e+00;
	v50, _, _ =	vpop (xrf2)  }
0x8c: {  	v4 =	vsel vm9, $0x0, v3  }
0x8d: {  	(xrf2) =	vadd.scan.msk.f32 $0xffff, v4;
	v4 =	vsel vm9, $0x0, v2  }
0x8e: {  	(xrf2) =	vadd.scan.msk.f32 $0xffff, v4;
	v4 =	vsel vm9, $0x0, v1  }
0x8f: {  	(xrf2) =	vadd.scan.msk.f32 $0xffff, v4;
	v4 =	vsel vm9, $0x0, v0  }
0x90: {  	(xrf2) =	vadd.scan.msk.f32 $0xffff, v4;
	v4 =	vsel vm10, $0x0, v3  }
0x91: {  	(xrf2) =	vadd.scan.msk.f32 $0xffff, v4;
	v4 =	vsel vm10, $0x0, v2  }
0x92: {  	(xrf2) =	vadd.scan.msk.f32 $0xffff, v4;
	v4 =	vsel vm10, $0x0, v1  }
0x93: {  	(xrf2) =	vadd.scan.msk.f32 $0xffff, v4;
	v4 =	vsel vm10, $0x0, v0  }
0x94: {  	(xrf2) =	vadd.scan.msk.f32 $0xffff, v4;
	v4 =	vsel vm11, $0x0, v3  }
0x95: {  	(xrf2) =	vadd.scan.msk.f32 $0xffff, v4;
	v4 =	vsel vm11, $0x0, v2  }
0x96: {  	(xrf2) =	vadd.scan.msk.f32 $0xffff, v4;
	v4 =	vsel vm11, $0x0, v1  }
0x97: {  	v5, _, _ =	vpop (xrf2);
	(xrf2) =	vadd.scan.msk.f32 $0xffff, v4;
	v4 =	vsel vm11, $0x0, v0  }
0x98: {  	v6, _, _ =	vpop (xrf2);
	(xrf2) =	vadd.scan.msk.f32 $0xffff, v4;
	v4 =	vsel vm12, $0x0, v3  }
0x99: {  	v7, _, _ =	vpop (xrf2);
	(xrf2) =	vadd.scan.msk.f32 $0xffff, v4;
	v4 =	vsel vm12, $0x0, v2  }
0x9a: {  	v8, _, _ =	vpop (xrf2);
	(xrf2) =	vadd.scan.msk.f32 $0xffff, v4;
	v4 =	vsel vm12, $0x0, v1  }
0x9b: {  	v9, _, _ =	vpop (xrf2);
	(xrf2) =	vadd.scan.msk.f32 $0xffff, v4;
	v4 =	vsel vm12, $0x0, v0  }
0x9c: {  	v10, _, _ =	vpop (xrf2);
	(xrf2) =	vadd.scan.msk.f32 $0xffff, v4;
	v4 =	vsel vm13, $0x0, v3  }
0x9d: {  	v11, _, _ =	vpop (xrf2);
	(xrf2) =	vadd.scan.msk.f32 $0xffff, v4;
	v4 =	vsel vm13, $0x0, v2  }
0x9e: {  	[tilespmem:$0x1FFE0] =	vst v12;
	v12, _, _ =	vpop (xrf2);
	(xrf2) =	vadd.scan.msk.f32 $0xffff, v4;
	v4 =	vsel vm13, $0x0, v1  }
0x9f: {  	[tilespmem:$0x1FFD0] =	vst v13;
	v13, _, _ =	vpop (xrf2);
	(xrf2) =	vadd.scan.msk.f32 $0xffff, v4;
	v4 =	vsel vm13, $0x0, v0  }
0xa0: {  	[tilespmem:$0x1FFC0] =	vst v14;
	v14, _, _ =	vpop (xrf2);
	(xrf2) =	vadd.scan.msk.f32 $0xffff, v4;
	v4 =	vsel vm14, $0x0, v3  }
0xa1: {  	[tilespmem:$0x1FFB0] =	vst v15;
	v15, _, _ =	vpop (xrf2);
	(xrf2) =	vadd.scan.msk.f32 $0xffff, v4;
	v4 =	vsel vm14, $0x0, v2  }
0xa2: {  	[tilespmem:$0x1FFA0] =	vst v16;
	v16, _, _ =	vpop (xrf2);
	(xrf2) =	vadd.scan.msk.f32 $0xffff, v4;
	v4 =	vsel vm14, $0x0, v1  }
0xa3: {  	[tilespmem:$0x1FF90] =	vst v17;
	v17, _, _ =	vpop (xrf2);
	(xrf2) =	vadd.scan.msk.f32 $0xffff, v4;
	v4 =	vsel vm14, $0x0, v0  }
0xa4: {  	[tilespmem:$0x1FF80] =	vst v18;
	v18, _, _ =	vpop (xrf2);
	(xrf2) =	vadd.scan.msk.f32 $0xffff, v4;
	v4 =	vsel vm15, $0x0, v3  }
0xa5: {  	[tilespmem:$0x1FF70] =	vst v19;
	v19, _, _ =	vpop (xrf2);
	(xrf2) =	vadd.scan.msk.f32 $0xffff, v4;
	v4 =	vsel vm15, $0x0, v2  }
0xa6: {  	[tilespmem:$0x1FF60] =	vst v20;
	v20, _, _ =	vpop (xrf2);
	(xrf2) =	vadd.scan.msk.f32 $0xffff, v4;
	v4 =	vsel vm15, $0x0, v1  }
0xa7: {  	[tilespmem:$0x1FF50] =	vst v21;
	vm0 =	vmmov $0x1;
	v21, _, _ =	vpop (xrf2);
	(xrf2) =	vadd.scan.msk.f32 $0xffff, v4;
	v4 =	vsel vm15, $0x0, v0  }
0xa8: {  	v3 =	vnsel vm0, $0x0, v3  }
0xa9: {  	[tilespmem:$0x1FF40] =	vst v22;
	v2 =	vnsel vm0, $0x0, v2;
	v22, _, _ =	vpop (xrf2)  }
0xaa: {  	v1 =	vnsel vm0, $0x0, v1;
	(xrf2) =	vadd.scan.msk.f32 $0xffff, v4;
	v4, _, _ =	vpop (xrf2)  }
0xab: {  	v0 =	vnsel vm0, $0x0, v0;
	(xrf2) =	vadd.scan.msk.f32 $0xffff, v3;
	v3, _, _ =	vpop (xrf2)  }
0xac: {  	[tilespmem:$0x1FE70] =	vst v50;
	(xrf2) =	vadd.scan.msk.f32 $0xffff, v2;
	v2, _, _ =	vpop (xrf2)  }
0xad: {  	[tilespmem:$0x1FE80] =	vst v49;
	v50 =	vbroadcast v5, $0xF;
	(xrf2) =	vadd.scan.msk.f32 $0xffff, v1;
	v1, _, _ =	vpop (xrf2)  }
0xae: {  	[tilespmem:$0x1FE90] =	vst v48;
	s15 =	sshll.u32 s13, $0x4;
	v56 =	vbroadcast v17, $0xF;
	v55 =	vbroadcast v18, $0xF;
	(xrf2) =	vadd.scan.msk.f32 $0xffff, v0;
	v0, _, _ =	vpop (xrf2)  }
0xaf: {  	[tilespmem:$0x1FF30] =	vst v23;
	v43 =	vld [tilespmem:s15+$0xFFFFFFF0];
	v54 =	vbroadcast v19, $0xF;
	v53 =	vbroadcast v20, $0xF;
	v23, _, _ =	vpop (xrf2)  }
0xb0: {  	[tilespmem:$0x1FF20] =	vst v24;
	v63 =	vld [tilespmem:s15+$0xFF0];
	v52 =	vbroadcast v21, $0xF;
	v51 =	vbroadcast v22, $0xF;
	v24, _, _ =	vpop (xrf2)  }
0xb1: {  	[tilespmem:$0x1FEA0] =	vst v47;
	s16 =	sadd.s32 $0xFFFFFFF0, s15;
	v49 =	vbroadcast v4, $0xF;
	v44 =	vbroadcast v24, $0xF;
	v24 =	vlaneseq.u32  }
0xb2: {  	[tilespmem:$0x1FEB0] =	vst v46;
	v48 =	vbroadcast v3, $0xF;
	v47 =	vbroadcast v2, $0xF;
	v24 =	vor.u32 s16, v24  }
0xb3: {  	[tilespmem:$0x1FEE0] =	vst v37;
	v2 =	vbroadcast v6, $0xF;
	v37 =	vbroadcast v1, $0xF;
	vm0 =	vlt.s32 v24, s14  }
0xb4: {  	[tilespmem:$0x1FEF0] =	vst v36;
	v1 =	vbroadcast v7, $0xF;
	v46 =	vbroadcast v0, $0xF;
	v57, _, _ =	vpop (xrf2);
	v0 =	vnsel vm0, $0x5F0AC723, v43  }
0xb5: {  	v45 =	vbroadcast v23, $0xF;
	v58, _, _ =	vpop (xrf2);
	v36 =	vbroadcast v57, $0xF;
	[tilespmem:s15+$0xFFFFFFF0] =	vst v0;
	v0 =	vnsel vm0, $0x0, v63  }
0xb6: {  	s31 =	simm.s32 $0x0;
	v57 =	vbroadcast v16, $0xF;
	v59, _, _ =	vpop (xrf2);
	v42 =	vbroadcast v58, $0xF;
	[tilespmem:s15+$0xFF0] =	vst v0  }
0xb7: {  	s14 =	sand.u32 $0xFFFFFFF0, s31;
	v58 =	vbroadcast v15, $0xF;
	v41 =	vbroadcast v59, $0xF;
	v17 =	vld [tilespmem:s31+$0x0]  }
0xb8: {  	v40, _, _ =	vpop (xrf2);
	v43 =	vbroadcast v14, $0xF;
	v59 =	vbroadcast v13, $0xF;
	v15 =	vld [tilespmem:s14+$0x1000]  }
0xb9: {  	v60, _, _ =	vpop (xrf2);
	v40 =	vbroadcast v40, $0xF;
	v63 =	vbroadcast v8, $0xF  }
0xba: {  	[tilespmem:$0x1FF00] =	vst v35;
	v61, _, _ =	vpop (xrf2);
	v35 =	vbroadcast v60, $0xF;
	v60 =	vbroadcast v12, $0xF  }
0xbb: {  	[tilespmem:$0x1FEC0] =	vst v39;
	v0 =	vbroadcast v9, $0xF;
	v39 =	vbroadcast v61, $0xF  }
0xbc: {  	v62, _, _ =	vpop (xrf2);
	v61 =	vbroadcast v11, $0xF;
	v3 =	vsub.f32 v17, v60;
	v6 =	vsub.f32 v17, v63  }
0xbd: {  	[tilespmem:$0x1FED0] =	vst v38;
	v38 =	vbroadcast v62, $0xF;
	v4 =	vsub.f32 v15, v46;
	v5 =	vsub.f32 v15, v39  }
0xbe: {  	v62 =	vbroadcast v10, $0xF;
	v7 =	vsub.f32 v15, v54;
	v10 =	vsub.f32 v15, v58  }
0xbf: {  	v11 =	vsub.f32 v15, v61;
	v12 =	vsub.f32 v17, v53;
	v9 =	vmul.f32 v3, v3  }
0xc0: {  	v13 =	vsub.f32 v15, v49;
	v3 =	vmul.f32 v4, v4;
	v5 =	vmul.f32 v5, v5  }
0xc1: {  	v16 =	vsub.f32 v17, v48;
	v7 =	vmul.f32 v7, v7;
	v10 =	vmul.f32 v10, v10  }
0xc2: {  	v18 =	vsub.f32 v17, v41;
	v6 =	vmul.f32 v6, v6;
	v12 =	vmul.f32 v12, v12  }
0xc3: {  	v8 =	vsub.f32 v15, v42;
	v11 =	vmul.f32 v11, v11;
	v19 =	vmul.f32 v16, v16  }
0xc4: {  	v13 =	vmul.f32 v13, v13;
	v16 =	vmul.f32 v18, v18  }
0xc5: {  	v4 =	vmul.f32 v3, v47;
	v3 =	vmul.f32 v8, v8  }
0xc6: {  	v7 =	vmul.f32 v7, v56;
	v12 =	vmul.f32 v12, v55  }
0xc7: {  	[tilespmem:$0x1FF10] =	vst v34;
	v34 =	vimm.f32 $0.0e+00;
	v11 =	vmul.f32 v11, v0;
	v13 =	vmul.f32 v13, v52  }
0xc8: {  	p2 =	sne.s32 s13, $0x1;
	v14 =	vsub.f32 v17, v45;
	v8 =	vmul.f32 v3, v44;
	v3 =	vmul.f32 v10, v59  }
.Ltmp3:
0xc9: {  	v10 =	vmul.f32 v5, v40;
	v5 =	vmul.f32 v9, v62;
	v9 =	vsub.f32 v15, v1;
	(pc) =	sbr.rel @!p2 .LBB2_3-.Ltmp3, $4  }
0xca: {  	v18 =	vmul.f32 v6, v2;
	v7 =	vadd.f32 v7, v12;
	v12 =	vsub.f32 v17, v38  }
0xcb: {  	v15 =	vmul.f32 v14, v14;
	v14 =	vmul.f32 v19, v51;
	v5 =	vadd.f32 v11, v5  }
0xcc: {  	v19 =	vsub.f32 v17, v57;
	v20 =	vmul.f32 $1.442695020e+00, v7;
	v23 =	vmul.f32 v12, v12  }
0xcd: {  	p1 =	por $0x0, $0x0;
	s15 =	simm.s32 $0x10;
	s14 =	sadd.s32 $0xFFFFFFFF, s13;
	v17 =	vadd.f32 v13, v14;
	v24 =	vmul.f32 v9, v9;
	v21 =	vmul.f32 $1.442695020e+00, v5  }
0xce: {  	v5 =	vmul.f32 v23, v35  }
0xcf: {  	v11 =	vld [tilespmem:s15+$0x0];
	v7 =	vmul.f32 v15, v37;
	v12 =	vmul.f32 v16, v36  }
0xd0: {  	s31 =	sand.u32 $0xFFFFFFF0, s15;
	(erf) = vpow2.f32 v20;
	v13 =	vmul.f32 v19, v19  }
0xd1: {  	v6 =	vld [tilespmem:s31+$0x1000];
	v9 =	vmul.f32 v24, v50;
	(erf) = vpow2.f32 v21;
	v8 =	vadd.f32 v8, v12  }
0xd2: {  	v4 =	vadd.f32 v4, v7;
	v5 =	vadd.f32 v10, v5;
	v13 =	vmul.f32 v13, v43  }
0xd3: {  	v7 =	vadd.f32 v9, v18;
	v9 =	vmul.f32 $1.442695020e+00, v17;
	v8 =	vmul.f32 $1.442695020e+00, v8  }
0xd4: {  	v3 =	vadd.f32 v3, v13;
	v18 =	vmul.f32 $1.442695020e+00, v5;
	v10 =	vsub.f32 v11, v60  }
0xd5: {  	v12 =	vsub.f32 v11, v63;
	v21 =	vsub.f32 v11, v38;
	v7 =	vmul.f32 $1.442695020e+00, v7  }
0xd6: {  	v14 =	vsub.f32 v6, v39;
	v16 =	vsub.f32 v6, v46;
	(erf) = vpow2.f32 v8  }
0xd7: {  	v19 =	vsub.f32 v6, v49;
	v5 =	vmul.f32 $1.442695020e+00, v3;
	v17 =	vmul.f32 v10, v10  }
0xd8: {  	v24 =	vsub.f32 v6, v1;
	v10 =	vmul.f32 $1.442695020e+00, v4;
	(erf) = vpow2.f32 v9  }
0xd9: {  	v4 =	vsub.f32 v6, v54;
	v12 =	vmul.f32 v12, v12;
	v23 =	vmul.f32 v21, v21  }
0xda: {  	v9 =	vsub.f32 v6, v42;
	v14 =	vmul.f32 v14, v14;
	v8 =	vmul.f32 v16, v16  }
0xdb: {  	v20 =	vsub.f32 v11, v53;
	v19 =	vmul.f32 v19, v19;
	v24 =	vmul.f32 v24, v24  }
0xdc: {  	v16 =	vsub.f32 v6, v58;
	v13 =	vmul.f32 v4, v4;
	v3 =	vmul.f32 v9, v9  }
0xdd: {  	v22 =	vsub.f32 v11, v48;
	(erf) = vpow2.f32 v10;
	v4 =	vmul.f32 v8, v47  }
0xde: {  	v15 =	vsub.f32 v6, v61;
	v6 =	vmul.f32 v16, v16;
	(erf) = vpow2.f32 v5  }
0xdf: {  	v10 =	vmul.f32 v14, v40;
	v14 =	vmul.f32 v17, v62  }
0xe0: {  	v17 =	vmul.f32 v20, v20;
	v20 =	vmul.f32 v22, v22  }
0xe1: {  	[tilespmem:$0x1FE10] =	vst v32;
	v32 =	vmov v25;
	v25 =	vmul.f32 v19, v52;
	v13 =	vmul.f32 v13, v56  }
0xe2: {  	v9 =	vsub.f32 v11, v45;
	v8 =	vmul.f32 v3, v44;
	v16 =	vpop (erf);
	v3 =	vmul.f32 v6, v59  }
0xe3: {  	(erf) = vpow2.f32 v7;
	v17 =	vmul.f32 v17, v55;
	v6 =	vadd.f32 v16, v34  }
0xe4: {  	v5 =	vpop (erf);
	(erf) = vpow2.f32 v18;
	v16 =	vsub.f32 v11, v41;
	v18 =	vmul.f32 v15, v15  }
0xe5: {  	p2 =	sne.s32 s14, $0x1;
	v19 =	vsub.f32 v11, v57;
	v15 =	vmul.f32 v9, v9;
	v13 =	vadd.f32 v13, v17  }
.Ltmp4:
0xe6: {  	[tilespmem:$0x1FE20] =	vst v31;
	v5 =	vadd.f32 v5, v34;
	v7 =	vpop (erf);
	v16 =	vmul.f32 v16, v16;
	v17 =	vmul.f32 v18, v0;
	(pc) =	sbr.rel @!p2 .LBB2_5-.Ltmp4, $4  }
0xe7: {  	[tilespmem:$0x1FE30] =	vst v30;
	v18 =	vmul.f32 v20, v51;
	v7 =	vadd.f32 v7, v34;
	v9 =	vpop (erf);
	v20 =	vmul.f32 $1.442695020e+00, v13  }
0xe8: {  	[tilespmem:$0x1FE40] =	vst v29;
	v13 =	vimm.f32 $0.0e+00;
	v9 =	vadd.f32 v9, v34;
	v11 =	vadd.f32 v17, v14;
	v22 =	vpop (erf)  }
0xe9: {  	[tilespmem:$0x1FE50] =	vst v28;
	s14 =	sadd.s32 $0xFFFFFFFF, s14;
	v17 =	vadd.f32 v25, v18;
	v18 =	vmul.f32 v12, v2;
	v14 =	vimm.f32 $0.0e+00;
	v12 =	vpop (erf)  }
0xea: {  	[tilespmem:$0x1FE60] =	vst v27;
	v33 =	vmovc v26;
	s15 =	simm.s32 $0x20;
	s16 =	simm.s32 $0x20;
	p1 =	por $0x1, $0x1;
	v21 =	vmul.f32 $1.442695020e+00, v11;
	v11 =	vadd.f32 v12, v34;
	v12 =	vimm.f32 $0.0e+00  }
.LBB2_6:
0xeb: {  	v23 =	vmul.f32 v23, v35  }
0xec: {  	v25 =	vld [tilespmem:s16+$0x0];
	s17 =	sand.u32 $0xFFFFFFF0, s15;
	p2 =	sne.s32 s14, $0x1;
	s14 =	sadd.s32 $0xFFFFFFFF, s14;
	(erf) = vpow2.f32 v20;
	v12 =	vadd.f32 v22, v12;
	v20 =	vpop (erf);
	v15 =	vmul.f32 v15, v37  }
0xed: {  	v16 =	vmul.f32 v16, v36;
	v22 =	vld [tilespmem:s17+$0x1000];
	v24 =	vmul.f32 v24, v50;
	v13 =	vadd.f32 v20, v13;
	v20 =	vpop (erf)  }
0xee: {  	v19 =	vmul.f32 v19, v19;
	v14 =	vadd.f32 v20, v14;
	v4 =	vadd.f32 v4, v15  }
0xef: {  	v8 =	vadd.f32 v8, v16;
	v15 =	vadd.f32 v24, v18;
	(erf) = vpow2.f32 v21  }
0xf0: {  	v10 =	vadd.f32 v10, v23;
	v16 =	vmul.f32 $1.442695020e+00, v17;
	v19 =	vmul.f32 v19, v43  }
0xf1: {  	v8 =	vmul.f32 $1.442695020e+00, v8;
	v17 =	vsub.f32 v25, v60;
	v18 =	vsub.f32 v25, v63  }
0xf2: {  	v24 =	vmul.f32 $1.442695020e+00, v4;
	v20 =	vsub.f32 v22, v39;
	v21 =	vsub.f32 v22, v61  }
0xf3: {  	v3 =	vadd.f32 v3, v19;
	v23 =	vsub.f32 v22, v46;
	v17 =	vmul.f32 v17, v17  }
0xf4: {  	v4 =	vsub.f32 v22, v54;
	v20 =	vmul.f32 v20, v20;
	(erf) = vpow2.f32 v8  }
0xf5: {  	v28 =	vmul.f32 $1.442695020e+00, v10;
	v8 =	vmul.f32 v23, v23;
	v23 =	vsub.f32 v22, v58;
	v19 =	vpop (erf)  }
0xf6: {  	v26 =	vsub.f32 v22, v42;
	v27 =	vmul.f32 v4, v4;
	(erf) = vpow2.f32 v16  }
0xf7: {  	v15 =	vmul.f32 $1.442695020e+00, v15;
	v4 =	vmul.f32 v8, v47;
	v16 =	vsub.f32 v22, v49  }
0xf8: {  	v29 =	vsub.f32 v22, v1;
	v10 =	vmul.f32 $1.442695020e+00, v3;
	v27 =	vmul.f32 v27, v56;
	v22 =	vpop (erf)  }
0xf9: {  	v30 =	vsub.f32 v25, v38;
	v18 =	vmul.f32 v18, v18;
	v3 =	vmul.f32 v26, v26  }
0xfa: {  	v31 =	vsub.f32 v25, v53;
	v26 =	vsub.f32 v25, v45;
	v23 =	vmul.f32 v23, v23  }
0xfb: {  	v8 =	vmul.f32 v3, v44;
	(erf) = vpow2.f32 v24;
	v24 =	vsub.f32 v25, v48  }
0xfc: {  	v3 =	vmul.f32 v23, v59;
	(erf) = vpow2.f32 v10  }
0xfd: {  	v17 =	vmul.f32 v17, v62;
	v5 =	vadd.f32 v22, v5;
	v10 =	vmul.f32 v20, v40;
	v20 =	vpop (erf)  }
0xfe: {  	v6 =	vadd.f32 v19, v6;
	v22 =	vmul.f32 v31, v31;
	(erf) = vpow2.f32 v15  }
0xff: {  	v19 =	vsub.f32 v25, v41;
	v23 =	vmul.f32 v24, v24;
	(erf) = vpow2.f32 v28;
	v24 =	vpop (erf)  }
0x100: {  	v21 =	vmul.f32 v21, v21;
	v22 =	vmul.f32 v22, v55;
	v7 =	vadd.f32 v20, v7  }
0x101: {  	v15 =	vmul.f32 v26, v26;
	v20 =	vmul.f32 v16, v16;
	v9 =	vadd.f32 v24, v9  }
.Ltmp5:
0x102: {  	v21 =	vmul.f32 v21, v0;
	v27 =	vadd.f32 v27, v22;
	v16 =	vmul.f32 v19, v19;
	(pc) =	sbr.rel @p2 .LBB2_6-.Ltmp5, $4  }
0x103: {  	v19 =	vsub.f32 v25, v57;
	v24 =	vmul.f32 v23, v51;
	v26 =	vmul.f32 v20, v52  }
0x104: {  	v21 =	vadd.f32 v21, v17;
	v20 =	vmul.f32 $1.442695020e+00, v27;
	v22 =	vpop (erf)  }
0x105: {  	v18 =	vmul.f32 v18, v2;
	v23 =	vmul.f32 v30, v30;
	v17 =	vadd.f32 v26, v24;
	v25 =	vpop (erf)  }
0x106: {  	s15 =	sadd.s32 $0x10, s15;
	s16 =	sadd.s32 $0x10, s16;
	v21 =	vmul.f32 $1.442695020e+00, v21;
	v24 =	vmul.f32 v29, v29;
	v11 =	vadd.f32 v25, v11  }
0x107: {  	v27 =	vld [tilespmem:$0x1FE60]  }
0x108: {  	v28 =	vld [tilespmem:$0x1FE50]  }
0x109: {  	v29 =	vld [tilespmem:$0x1FE40]  }
0x10a: {  	v30 =	vld [tilespmem:$0x1FE30]  }
0x10b: {  	v31 =	vld [tilespmem:$0x1FE20]  }
0x10c: {  	v25 =	vmov v32;
	v26 =	vmov v33;
	v32 =	vld [tilespmem:$0x1FE10];
	v33 =	vimm.f32 $0.0e+00  }
.LBB2_8:
0x10d: {  	v0 =	vmul.f32 v16, v36;
	v16 =	vld [tilespmem:$0x1FFA0]  }
0x10e: {  	v1 =	vmul.f32 v19, v19;
	v19 =	vld [tilespmem:$0x1FF70]  }
0x10f: {  	(erf) = vpow2.f32 v20;
	v20 =	vld [tilespmem:$0x1FF60]  }
0x110: {  	v2 =	vmul.f32 v23, v35;
	v15 =	vmul.f32 v15, v37;
	v23 =	vld [tilespmem:$0x1FF30]  }
0x111: {  	v35 =	vld [tilespmem:$0x1FF00];
	v0 =	vadd.f32 v8, v0;
	v1 =	vmul.f32 v1, v43  }
0x112: {  	v36 =	vld [tilespmem:$0x1FEF0];
	v8 =	vmul.f32 v24, v50;
	v4 =	vadd.f32 v4, v15  }
0x113: {  	v37 =	vld [tilespmem:$0x1FEE0];
	(erf) = vpow2.f32 v21;
	v0 =	vmul.f32 $1.442695020e+00, v0;
	v1 =	vadd.f32 v3, v1  }
0x114: {  	v38 =	vld [tilespmem:$0x1FED0];
	v15 =	vmul.f32 $1.442695020e+00, v17;
	v3 =	vadd.f32 v8, v18;
	v4 =	vmul.f32 $1.442695020e+00, v4  }
0x115: {  	v39 =	vld [tilespmem:$0x1FEC0];
	v58 =	vadd.f32 v10, v2;
	(erf) = vpow2.f32 v0;
	v1 =	vmul.f32 $1.442695020e+00, v1  }
0x116: {  	v46 =	vld [tilespmem:$0x1FEB0];
	v59 =	vmul.f32 $1.442695020e+00, v3;
	(erf) = vpow2.f32 v15  }
0x117: {  	v47 =	vld [tilespmem:$0x1FEA0];
	v0 =	vmul.f32 $1.442695020e+00, v58;
	(erf) = vpow2.f32 v4  }
0x118: {  	v48 =	vld [tilespmem:$0x1FE90];
	(erf) = vpow2.f32 v1  }
0x119: {  	v49 =	vld [tilespmem:$0x1FE80];
	(erf) = vpow2.f32 v59  }
0x11a: {  	v21 =	vld [tilespmem:$0x1FF50];
	v1 =	vpop @p1 (erf);
	(erf) = vpow2.f32 v0  }
0x11b: {  	v10 =	vadd.f32 @p1 v22, v12;
	v12 =	vld [tilespmem:$0x1FFE0];
	v0 =	vpop @p1 (erf)  }
0x11c: {  	v17 =	vld [tilespmem:$0x1FF90];
	v60 =	vpop (erf)  }
0x11d: {  	v22 =	vld [tilespmem:$0x1FF40];
	v3 =	vpop (erf)  }
0x11e: {  	v24 =	vld [tilespmem:$0x1FF20];
	v4 =	vpop (erf)  }
0x11f: {  	v50 =	vld [tilespmem:$0x1FE70];
	v8 =	vpop (erf)  }
0x120: {  	v18 =	vld [tilespmem:$0x1FF80];
	v1 =	vadd.f32 @p1 v1, v13;
	v5 =	vadd.f32 v3, v5;
	v3 =	vpop (erf)  }
0x121: {  	v62 =	vpsel p1, v10, v34;
	v15 =	vld [tilespmem:$0x1FFB0];
	v0 =	vadd.f32 @p1 v0, v14;
	v6 =	vadd.f32 v60, v6;
	v61 =	vpop (erf)  }
0x122: {  	v13 =	vld [tilespmem:$0x1FFD0];
	v1 =	vpsel p1, v1, v34;
	v4 =	vadd.f32 v4, v7;
	v7 =	vadd.f32 v8, v9;
	v10 =	vpop (erf)  }
0x123: {  	v14 =	vld [tilespmem:$0x1FFC0];
	v0 =	vpsel p1, v0, v34;
	v9 =	vadd.f32 v3, v62;
	v8 =	vadd.f32 v61, v11;
	v63 =	vpop (erf)  }
0x124: {  	v34 =	vld [tilespmem:$0x1FF10];
	v11 =	vadd.f32 v10, v1;
	v10 =	vadd.f32 v63, v0  }
.LBB2_9:
0x125: {  	_ = 	snop  }
0x126: {  	(xrf2) =	vadd.scan.msk.f32 $0xffff, v10  }
0x127: {  	(xrf2) =	vadd.scan.msk.f32 $0xffff, v4  }
0x128: {  	(xrf2) =	vadd.scan.msk.f32 $0xffff, v9  }
0x129: {  	(xrf2) =	vadd.scan.msk.f32 $0xffff, v7  }
0x12a: {  	(xrf2) =	vadd.scan.msk.f32 $0xffff, v6  }
0x12b: {  	(xrf2) =	vadd.scan.msk.f32 $0xffff, v8  }
0x12c: {  	(xrf2) =	vadd.scan.msk.f32 $0xffff, v5  }
0x12d: {  	(xrf2) =	vadd.scan.msk.f32 $0xffff, v11;
	_ =	sdelay $0x2  }
0x12e: {  	v7, _, _ =	vpop (xrf2)  }
0x12f: {  	v8, _, _ =	vpop (xrf2)  }
0x130: {  	v9, _, _ =	vpop (xrf2)  }
.Ltmp6:
0x131: {  	v11, _, _ =	vpop (xrf2);
	(pc) =	sbr.rel @p0 .LBB2_17-.Ltmp6, $4  }
0x132: {  	v10, _, _ =	vpop (xrf2)  }
0x133: {  	v2 =	vimm.f32 $0.0e+00;
	v63, _, _ =	vpop (xrf2)  }
0x134: {  	v3 =	vimm.f32 $0.0e+00;
	v0 =	vimm.f32 $0.0e+00;
	v1 =	vimm.f32 $0.0e+00;
	v40, _, _ =	vpop (xrf2)  }
0x135: {  	v4 =	vimm.f32 $0.0e+00;
	v6 =	vimm.f32 $0.0e+00;
	v5 =	vimm.f32 $0.0e+00;
	v41, _, _ =	vpop (xrf2)  }
0x136: {  	v33 =	vbroadcast v25, $0xF  }
0x137: {  	v42 =	vbroadcast v26, $0xF;
	v2 =	vbroadcast v27, $0xF  }
0x138: {  	v43 =	vbroadcast v28, $0xF;
	v44 =	vbroadcast v29, $0xF  }
0x139: {  	[tilespmem:$0x1FDC0] =	vst v7;
	v6 =	vbroadcast v30, $0xF;
	v3 =	vbroadcast v31, $0xF  }
0x13a: {  	[tilespmem:$0x1FDD0] =	vst v8;
	v7 =	vbroadcast v32, $0xF;
	v8 =	vbroadcast v12, $0xF  }
0x13b: {  	[tilespmem:$0x1FE00] =	vst v10;
	v10 =	vbroadcast v13, $0xF;
	v4 =	vbroadcast v14, $0xF  }
0x13c: {  	[tilespmem:$0x1FDF0] =	vst v11;
	v11 =	vbroadcast v15, $0xF;
	v12 =	vbroadcast v16, $0xF  }
0x13d: {  	v13 =	vbroadcast v17, $0xF;
	v14 =	vbroadcast v18, $0xF  }
0x13e: {  	v15 =	vbroadcast v19, $0xF;
	v16 =	vbroadcast v20, $0xF;
	s14 =	simm.s32 $0x0  }
0x13f: {  	v17 =	vbroadcast v21, $0xF;
	v18 =	vbroadcast v22, $0xF;
	v31 =	vld [tilespmem:s14+$0x0]  }
0x140: {  	v19 =	vbroadcast v23, $0xF;
	v20 =	vbroadcast v24, $0xF  }
0x141: {  	v21 =	vbroadcast v34, $0xF;
	v5 =	vbroadcast v36, $0xF;
	s14 =	sand.u32 $0xFFFFFFF0, s14  }
0x142: {  	v22 =	vbroadcast v35, $0xF;
	v23 =	vbroadcast v37, $0xF;
	v45 =	vld [tilespmem:s14+$0x1000]  }
0x143: {  	v24 =	vbroadcast v38, $0xF;
	v27 =	vbroadcast v47, $0xF  }
0x144: {  	v25 =	vbroadcast v39, $0xF;
	v26 =	vbroadcast v46, $0xF;
	v29 =	vsub.f32 v31, v23  }
0x145: {  	v0 =	vbroadcast v48, $0xF;
	v39 =	vsub.f32 v31, v27;
	v52 =	vsub.f32 v31, v16  }
0x146: {  	v28 =	vbroadcast v49, $0xF;
	v53 =	vsub.f32 v31, v8;
	v55 =	vsub.f32 v31, v12  }
0x147: {  	[tilespmem:$0x1FDE0] =	vst v9;
	v9 =	vbroadcast v50, $0xF;
	v35 =	vsub.f32 v31, v44;
	v30 =	vsub.f32 v45, v10  }
0x148: {  	v56 =	vsub.f32 v45, v42;
	v57 =	vsub.f32 v45, v17;
	v58 =	vmul.f32 v29, v29  }
0x149: {  	v61 =	vsub.f32 v45, v21;
	v32 =	vmul.f32 v39, v39;
	v52 =	vmul.f32 v52, v52  }
0x14a: {  	v51 =	vsub.f32 v45, v24;
	v55 =	vmul.f32 v55, v55;
	v53 =	vmul.f32 v53, v53  }
0x14b: {  	v54 =	vsub.f32 v45, v13;
	v29 =	vmul.f32 v30, v30;
	v60 =	vmul.f32 v56, v56  }
0x14c: {  	v37 =	vsub.f32 v31, v33;
	v47 =	vmul.f32 v57, v57;
	v62 =	vmul.f32 v61, v61  }
0x14d: {  	v51 =	vmul.f32 v51, v51;
	v56 =	vmul.f32 v54, v54  }
0x14e: {  	v54 =	vmul.f32 v35, v35;
	v61 =	vmul.f32 v37, v37  }
0x14f: {  	v59 =	vsub.f32 v45, v6;
	v49 =	vmul.f32 v58, v25;
	v34 =	vmul.f32 v52, v18  }
0x150: {  	v38 =	vmul.f32 v55, v14;
	v30 =	vmul.f32 v29, v11  }
0x151: {  	p1 =	sne.s32 s13, $0x1;
	v29 =	vmul.f32 v59, v59;
	v47 =	vmul.f32 v47, v19  }
.Ltmp7:
0x152: {  	v1 =	vimm.f32 $0.0e+00;
	v48 =	vmul.f32 v60, v43;
	v36 =	vmul.f32 v51, v26;
	(pc) =	sbr.rel @!p1 .LBB2_11-.Ltmp7, $4  }
0x153: {  	v45 =	vsub.f32 v45, v0;
	v39 =	vmul.f32 v56, v15;
	v56 =	vmul.f32 v32, v28  }
0x154: {  	v46 =	vmul.f32 v29, v7;
	v47 =	vadd.f32 v47, v34;
	v50 =	vadd.f32 v36, v49  }
0x155: {  	v57 =	vsub.f32 v31, v20;
	v29 =	vmul.f32 v62, v22;
	v62 =	vmul.f32 v45, v45  }
0x156: {  	s13 =	sadd.s32 $0xFFFFFFFF, s13;
	p0 =	por $0x0, $0x0;
	s14 =	simm.s32 $0x10;
	v55 =	vadd.f32 v39, v38;
	v58 =	vmul.f32 $1.442695020e+00, v47;
	v59 =	vmul.f32 $1.442695020e+00, v50  }
0x157: {  	v31 =	vmul.f32 v61, v2  }
0x158: {  	v49 =	vld [tilespmem:s14+$0x0];
	v45 =	vmul.f32 v53, v4;
	v50 =	vmul.f32 v54, v3  }
0x159: {  	s31 =	sand.u32 $0xFFFFFFF0, s14;
	v47 =	vmul.f32 v62, v9;
	v51 =	vmul.f32 v57, v57  }
0x15a: {  	v32 =	vld [tilespmem:s31+$0x1000];
	(erf) = vpow2.f32 v58;
	v62 =	vmul.f32 $1.442695020e+00, v55;
	v46 =	vadd.f32 v46, v50  }
0x15b: {  	v30 =	vadd.f32 v30, v45;
	v45 =	vadd.f32 v47, v56;
	v51 =	vmul.f32 v51, v5  }
0x15c: {  	(erf) = vpow2.f32 v59;
	v31 =	vadd.f32 v48, v31;
	v46 =	vmul.f32 $1.442695020e+00, v46  }
0x15d: {  	[tilespmem:$0x1FDB0] =	vst v63;
	v48 =	vmul.f32 $1.442695020e+00, v30;
	v29 =	vadd.f32 v29, v51;
	v63 =	vsub.f32 v49, v23  }
0x15e: {  	v56 =	vmul.f32 $1.442695020e+00, v31;
	v34 =	vsub.f32 v49, v27;
	v60 =	vsub.f32 v49, v12  }
0x15f: {  	v45 =	vmul.f32 $1.442695020e+00, v45;
	v52 =	vsub.f32 v32, v42;
	v53 =	vsub.f32 v32, v24  }
0x160: {  	v35 =	vsub.f32 v32, v10;
	(erf) = vpow2.f32 v46;
	v31 =	vmul.f32 $1.442695020e+00, v29  }
0x161: {  	v30 =	vsub.f32 v32, v17;
	v55 =	vmul.f32 v63, v63;
	(erf) = vpow2.f32 v62  }
0x162: {  	v39 =	vsub.f32 v32, v6;
	v50 =	vmul.f32 v34, v34;
	v60 =	vmul.f32 v60, v60  }
0x163: {  	v37 =	vsub.f32 v32, v21;
	v52 =	vmul.f32 v52, v52;
	v36 =	vmul.f32 v35, v35  }
0x164: {  	v57 =	vsub.f32 v32, v13;
	v38 =	vmul.f32 v30, v30;
	v29 =	vmul.f32 v39, v39  }
0x165: {  	v62 =	vsub.f32 v32, v0;
	v63 =	vmul.f32 v37, v37;
	(erf) = vpow2.f32 v48  }
0x166: {  	v34 =	vmul.f32 v53, v53;
	v57 =	vmul.f32 v57, v57  }
0x167: {  	(erf) = vpow2.f32 v31;
	v62 =	vmul.f32 v62, v62  }
0x168: {  	v30 =	vmul.f32 v36, v11;
	v51 =	vmul.f32 v38, v19  }
0x169: {  	v59 =	vsub.f32 v49, v33;
	v46 =	vmul.f32 v29, v7;
	v29 =	vmul.f32 v63, v22  }
0x16a: {  	v37 =	vpop (erf);
	v38 =	vsub.f32 v49, v16;
	v48 =	vmul.f32 v52, v43;
	(erf) = vpow2.f32 v45  }
0x16b: {  	v36 =	vsub.f32 v49, v8;
	v52 =	vmul.f32 v55, v25;
	v31 =	vpop (erf);
	(erf) = vpow2.f32 v56  }
0x16c: {  	v32 =	vadd.f32 v37, v1;
	v37 =	vmul.f32 v60, v14;
	v39 =	vmul.f32 v38, v38  }
0x16d: {  	v63 =	vsub.f32 v49, v44;
	v56 =	vmul.f32 v50, v28;
	v53 =	vmul.f32 v36, v36  }
0x16e: {  	p1 =	sne.s32 s13, $0x1;
	v50 =	vimm.f32 $0.0e+00;
	v36 =	vmul.f32 v34, v26;
	v55 =	vmul.f32 v39, v18  }
.Ltmp8:
0x16f: {  	v31 =	vadd.f32 v31, v1;
	v38 =	vmul.f32 v57, v15;
	v57 =	vsub.f32 v49, v20;
	v61 =	vpop (erf);
	(pc) =	sbr.rel @!p1 .LBB2_13-.Ltmp8, $4  }
0x170: {  	v54 =	vmul.f32 v63, v63;
	v39 =	vadd.f32 v36, v52;
	v35 =	vpop (erf);
	v51 =	vadd.f32 v51, v55  }
0x171: {  	v45 =	vadd.f32 v61, v1;
	v61 =	vmul.f32 v59, v59;
	v55 =	vadd.f32 v38, v37;
	v60 =	vpop (erf)  }
0x172: {  	s13 =	sadd.s32 $0xFFFFFFFF, s13;
	v59 =	vmul.f32 $1.442695020e+00, v39;
	v47 =	vadd.f32 v35, v1;
	v58 =	vmul.f32 $1.442695020e+00, v51;
	v52 =	vpop (erf)  }
0x173: {  	s14 =	simm.s32 $0x20;
	s15 =	simm.s32 $0x20;
	p0 =	por $0x1, $0x1;
	v51 =	vimm.f32 $0.0e+00;
	v49 =	vadd.f32 v52, v1;
	v52 =	vimm.f32 $0.0e+00  }
.LBB2_14:
0x174: {  	v63 =	vld [tilespmem:s15+$0x0];
	s16 =	sand.u32 $0xFFFFFFF0, s14;
	p1 =	sne.s32 s13, $0x1;
	s13 =	sadd.s32 $0xFFFFFFFF, s13;
	v61 =	vmul.f32 v61, v2;
	(erf) = vpow2.f32 v58;
	v50 =	vadd.f32 v60, v50;
	v58 =	vpop (erf)  }
0x175: {  	v53 =	vmul.f32 v53, v4;
	v60 =	vld [tilespmem:s16+$0x1000];
	v62 =	vmul.f32 v62, v9;
	v51 =	vadd.f32 v58, v51;
	v58 =	vpop (erf)  }
0x176: {  	v54 =	vmul.f32 v54, v3;
	v57 =	vmul.f32 v57, v57;
	v52 =	vadd.f32 v58, v52  }
0x177: {  	v30 =	vadd.f32 v30, v53;
	v53 =	vadd.f32 v62, v56;
	(erf) = vpow2.f32 v59  }
0x178: {  	v48 =	vadd.f32 v48, v61;
	v46 =	vadd.f32 v46, v54;
	v54 =	vmul.f32 $1.442695020e+00, v55  }
0x179: {  	v57 =	vmul.f32 v57, v5;
	v55 =	vsub.f32 v63, v23;
	v56 =	vsub.f32 v63, v27  }
0x17a: {  	v46 =	vmul.f32 $1.442695020e+00, v46;
	v58 =	vsub.f32 v60, v42;
	v59 =	vsub.f32 v60, v24  }
0x17b: {  	v62 =	vmul.f32 $1.442695020e+00, v30;
	v61 =	vsub.f32 v60, v10;
	v55 =	vmul.f32 v55, v55  }
0x17c: {  	v30 =	vsub.f32 v60, v17;
	v58 =	vmul.f32 v58, v58;
	(erf) = vpow2.f32 v46  }
0x17d: {  	v29 =	vadd.f32 v29, v57;
	v46 =	vmul.f32 v61, v61;
	v61 =	vsub.f32 v60, v21;
	v57 =	vpop (erf)  }
0x17e: {  	v34 =	vsub.f32 v60, v6;
	v35 =	vmul.f32 v30, v30;
	(erf) = vpow2.f32 v54  }
0x17f: {  	v36 =	vmul.f32 $1.442695020e+00, v48;
	v30 =	vmul.f32 v46, v11;
	v54 =	vsub.f32 v60, v13  }
0x180: {  	v37 =	vsub.f32 v60, v0;
	v48 =	vmul.f32 $1.442695020e+00, v29;
	v35 =	vmul.f32 v35, v19;
	v60 =	vpop (erf)  }
0x181: {  	v38 =	vsub.f32 v63, v33;
	v29 =	vmul.f32 v34, v34;
	v34 =	vmul.f32 v56, v56  }
0x182: {  	v53 =	vmul.f32 $1.442695020e+00, v53;
	v56 =	vsub.f32 v63, v8;
	v61 =	vmul.f32 v61, v61  }
0x183: {  	v39 =	vsub.f32 v63, v16;
	v46 =	vmul.f32 v29, v7;
	(erf) = vpow2.f32 v62  }
0x184: {  	v29 =	vmul.f32 v61, v22;
	v62 =	vsub.f32 v63, v12;
	(erf) = vpow2.f32 v48  }
0x185: {  	v55 =	vmul.f32 v55, v25;
	v31 =	vadd.f32 v60, v31;
	v48 =	vmul.f32 v58, v43;
	v58 =	vpop (erf)  }
0x186: {  	v39 =	vmul.f32 v39, v39;
	v32 =	vadd.f32 v57, v32;
	(erf) = vpow2.f32 v53  }
0x187: {  	v57 =	vsub.f32 v63, v44;
	v60 =	vmul.f32 v62, v62;
	(erf) = vpow2.f32 v36;
	v36 =	vpop (erf)  }
0x188: {  	v59 =	vmul.f32 v59, v59;
	v39 =	vmul.f32 v39, v18;
	v45 =	vadd.f32 v58, v45  }
0x189: {  	v53 =	vmul.f32 v56, v56;
	v56 =	vmul.f32 v54, v54;
	v47 =	vadd.f32 v36, v47  }
.Ltmp9:
0x18a: {  	v35 =	vadd.f32 v35, v39;
	v54 =	vmul.f32 v57, v57;
	v36 =	vmul.f32 v59, v26;
	(pc) =	sbr.rel @p1 .LBB2_14-.Ltmp9, $4  }
0x18b: {  	v57 =	vsub.f32 v63, v20;
	v39 =	vmul.f32 v60, v14;
	v56 =	vmul.f32 v56, v15  }
0x18c: {  	v58 =	vmul.f32 $1.442695020e+00, v35;
	v35 =	vadd.f32 v36, v55;
	v60 =	vpop (erf)  }
0x18d: {  	v61 =	vmul.f32 v38, v38;
	v55 =	vadd.f32 v56, v39;
	v56 =	vmul.f32 v34, v28;
	v34 =	vpop (erf)  }
0x18e: {  	s14 =	sadd.s32 $0x10, s14;
	s15 =	sadd.s32 $0x10, s15;
	v62 =	vmul.f32 v37, v37;
	v59 =	vmul.f32 $1.442695020e+00, v35;
	v49 =	vadd.f32 v34, v49  }
.Ltmp10:
0x18f: {  	(pc) =	sbr.rel .LBB2_16-.Ltmp10, $2  }
0x190: {  	_ =	sdelay $0x2  }
0x191: {  	v63 =	vld [tilespmem:$0x1FDB0]  }
.LBB2_3:
.Ltmp11:
0x192: {  	(pc) =	sbr.rel .LBB2_8-.Ltmp11, $4  }
0x193: {  	_ = 	snop  }
0x194: {  	v12 =	vimm.f32 $0.0e+00;
	v13 =	vimm.f32 $0.0e+00  }
0x195: {  	v14 =	vimm.f32 $0.0e+00;
	v5 =	vimm.f32 $0.0e+00;
	v6 =	vimm.f32 $0.0e+00  }
0x196: {  	v7 =	vimm.f32 $0.0e+00;
	v9 =	vimm.f32 $0.0e+00;
	v11 =	vimm.f32 $0.0e+00  }
.LBB2_5:
0x197: {  	v27 =	vld [tilespmem:$0x1FE60]  }
.Ltmp12:
0x198: {  	v28 =	vld [tilespmem:$0x1FE50];
	(pc) =	sbr.rel .LBB2_8-.Ltmp12, $4  }
0x199: {  	v29 =	vld [tilespmem:$0x1FE40]  }
0x19a: {  	v30 =	vld [tilespmem:$0x1FE30]  }
0x19b: {  	v12 =	vimm.f32 $0.0e+00;
	v31 =	vld [tilespmem:$0x1FE20]  }
0x19c: {  	v13 =	vimm.f32 $0.0e+00;
	v14 =	vimm.f32 $0.0e+00;
	v25 =	vmovc v32;
	v26 =	vmovc v33;
	v32 =	vld [tilespmem:$0x1FE10];
	v33 =	vimm.f32 $0.0e+00  }
.LBB2_13:
.Ltmp13:
0x19d: {  	(pc) =	sbr.rel .LBB2_16-.Ltmp13, $2  }
0x19e: {  	_ =	sdelay $0x2  }
0x19f: {  	v50 =	vimm.f32 $0.0e+00;
	v51 =	vimm.f32 $0.0e+00;
	v52 =	vimm.f32 $0.0e+00;
	v63 =	vld [tilespmem:$0x1FDB0]  }
.LBB2_18:
0x1a0: {  	_ =	sfence.sel $0x180000  }
0x1a1: {  	[bflag:$0x0] =	sbarrier.arrive $0xFFFF  }
0x1a2: {  	p0 =	sne.s32 s1, $0x0;
	_ =	strace $0x90000047  }
0x1a3: {  	s0 =	sadd.s32 @!p0 $0x100000, s0;
	[bflag:$0x2] =	sbarrier.arrive $0xFFFF  }
0x1a4: {  	[sflag:s0] =	ssyncadd.tile.s32 @!p0 $0x1;
	_ =	shalt  }
.Lfunc_end2:
_tile_overlayer_lowered:
.L_overlay_start_2:
0x1a5: {  	(tag) =	ssettag $0x2  }
0x1a6: {  	s0 =	rddreg [dreg:$0x0];
	s2 =	stileid.u32  }
0x1a7: {  	s1 =	rddreg [dreg:$0x1];
	p0 =	sne.s32 s2, $0x0  }
0x1a8: {  	s3 =	rddreg [dreg:$0x2];
	[bflag:$0x3] =	sbarrier.arrive $0xFFFF;
	s2 =	simm.s32 @!p0 $0x1C01  }
0x1a9: {  	[timem:s3], [sflag:s2] =	dma.local @!p0 [hbm:s0], s1  }
0x1aa: {  	s0 =	simm.s32 @!p0 $0x1  }
0x1ab: {  	_ =	swait.ge @!p0 [sflag:s0], s1  }
0x1ac: {  	s1 =	ssub.s32 @!p0 $0x0, s1;
	[sflag:s0] =	ssyncset.done @!p0 $0x0  }
0x1ad: {  	[sflag:s0] =	ssyncadd.s32 @!p0 s1  }
0x1ae: {  	[bflag:$0x3] =	sbarrier.arrive $0xFFFF  }
0x1af: {  	_ =	shalt  }

</sc_bundles>
